<compile_context>
chip_gen: v7x
topology: tpu7x:2x2x1
jax: 0.10.2.dev20260603
libtpu: 0.0.44.dev20260713+nightly
codegen_flags: <defaults>
</compile_context>

<pallas_src>
import jax
import jax.numpy as jnp
from jax import lax
from jax.experimental import pallas as pl
from jax.experimental.pallas import tpu as pltpu
from jax.experimental.pallas import tpu_sc as plsc

N_NODES = 10000
N_EDGES = 320000
D = 128

NC = 2
NS = 16
CHUNK = 40
EDGES_PER_TILE = N_EDGES // (NC * NS)
NCHUNK = EDGES_PER_TILE // CHUNK
N_PAD = 10000
ROWS_PER_TILE = N_PAD // NS
NBUF = 6

DEG_CHUNK = 125
DEG_NCHUNK = EDGES_PER_TILE // DEG_CHUNK
DEG_W = 16

_MESH = plsc.VectorSubcoreMesh(core_axis_name="c", subcore_axis_name="s")
_SC_PARAMS = pltpu.CompilerParams(use_tc_tiling_on_sc=False)



def _deg_body(dstd_hbm, zeros_hbm, ones_hbm, out_hbm, idx_v, ones_v, deg_sh,
              ssem):
    c = lax.axis_index("c")
    s = lax.axis_index("s")
    pltpu.sync_copy(dstd_hbm.at[c, s], idx_v)
    pltpu.sync_copy(ones_hbm, ones_v)
    pltpu.sync_copy(zeros_hbm, deg_sh.at[pl.ds(s * ROWS_PER_TILE, ROWS_PER_TILE)])
    plsc.subcore_barrier()

    def fire(j, carry):
        pltpu.async_copy(ones_v, deg_sh.at[idx_v.at[j]], ssem, add=True)
        return carry

    lax.fori_loop(0, DEG_NCHUNK, fire, 0)

    def drain(j, carry):
        pltpu.make_async_copy(ones_v, deg_sh.at[idx_v.at[0]], ssem).wait()
        return carry

    lax.fori_loop(0, DEG_NCHUNK, drain, 0)
    plsc.subcore_barrier()
    sl = pl.ds(s * ROWS_PER_TILE, ROWS_PER_TILE)
    pltpu.sync_copy(deg_sh.at[sl], out_hbm.at[c, sl])


def _deg_call(dstd_r, zeros_deg, ones_deg):
    return pl.kernel(
        _deg_body,
        out_type=jax.ShapeDtypeStruct((NC, N_PAD, DEG_W), jnp.float32),
        mesh=_MESH,
        compiler_params=_SC_PARAMS,
        scratch_types=[
            pltpu.VMEM((DEG_NCHUNK, DEG_CHUNK), jnp.int32),
            pltpu.VMEM((DEG_CHUNK, DEG_W), jnp.float32),
            pltpu.VMEM_SHARED((N_PAD, DEG_W), jnp.float32),
            pltpu.SemaphoreType.DMA,
        ],
    )(dstd_r, zeros_deg, ones_deg)


def _scatter_body(u_hbm, ei_hbm, zeros_hbm, out_hbm,
                  idx_v, rows, acc_sh, gsem):
    c = lax.axis_index("c")
    s = lax.axis_index("s")
    pltpu.sync_copy(ei_hbm.at[0, c, s], idx_v.at[0])
    pltpu.sync_copy(ei_hbm.at[1, c, s], idx_v.at[1])
    pltpu.sync_copy(zeros_hbm, acc_sh.at[pl.ds(s * ROWS_PER_TILE, ROWS_PER_TILE)])
    plsc.subcore_barrier()

    def body(j, carry):
        b = j % NBUF

        @pl.when(j >= NBUF)
        def _drain():
            pltpu.make_async_copy(
                u_hbm.at[idx_v.at[0, j - NBUF]], rows.at[b], gsem).wait()
            pltpu.sync_copy(rows.at[b], acc_sh.at[idx_v.at[1, j - NBUF]],
                            add=True)

        @pl.when(j < NCHUNK)
        def _launch():
            pltpu.async_copy(u_hbm.at[idx_v.at[0, j]], rows.at[b], gsem)

        return carry

    lax.fori_loop(0, NCHUNK + NBUF, body, 0)
    plsc.subcore_barrier()
    sl = pl.ds(s * ROWS_PER_TILE, ROWS_PER_TILE)
    pltpu.sync_copy(acc_sh.at[sl], out_hbm.at[c, sl])


def _scatter_call(u, ei_r, zeros_acc):
    return pl.kernel(
        _scatter_body,
        out_type=jax.ShapeDtypeStruct((NC, N_PAD, D), jnp.float32),
        mesh=_MESH,
        compiler_params=_SC_PARAMS,
        scratch_types=[
            pltpu.VMEM((2, NCHUNK, CHUNK), jnp.int32),
            pltpu.VMEM((NBUF, CHUNK, D), jnp.float32),
            pltpu.VMEM_SHARED((N_PAD, D), jnp.float32),
            pltpu.SemaphoreType.DMA,
        ],
    )(u, ei_r, zeros_acc)



_ROWS = 1000


def _mm1_body(x_ref, w_ref, deg_ref, u_ref, dis_ref):
    d = deg_ref[0, :, 0:1] + deg_ref[1, :, 0:1]
    dis = lax.rsqrt(1.0 + d)
    dis_ref[...] = dis
    u_ref[...] = jnp.dot(x_ref[...], w_ref[...],
                         preferred_element_type=jnp.float32) * dis


def _mm1_call(x, W1, degp):
    grid = (N_NODES // _ROWS,)
    return pl.pallas_call(
        _mm1_body,
        grid=grid,
        in_specs=[
            pl.BlockSpec((_ROWS, D), lambda i: (i, 0)),
            pl.BlockSpec((D, D), lambda i: (0, 0)),
            pl.BlockSpec((NC, _ROWS, DEG_W), lambda i: (0, i, 0)),
        ],
        out_specs=[
            pl.BlockSpec((_ROWS, D), lambda i: (i, 0)),
            pl.BlockSpec((_ROWS, 1), lambda i: (i, 0)),
        ],
        out_shape=[
            jax.ShapeDtypeStruct((N_NODES, D), jnp.float32),
            jax.ShapeDtypeStruct((N_NODES, 1), jnp.float32),
        ],
    )(x, W1, degp)


def _mid_body(s_ref, u_ref, dis_ref, b_ref, w_ref, o_ref):
    dis = dis_ref[...]
    z = jnp.maximum(
        dis * (s_ref[0] + s_ref[1] + u_ref[...]) + b_ref[...], 0.0)
    o_ref[...] = jnp.dot(z, w_ref[...],
                         preferred_element_type=jnp.float32) * dis


def _mid_call(sp, u, dis, b, Wnext):
    grid = (N_NODES // _ROWS,)
    return pl.pallas_call(
        _mid_body,
        grid=grid,
        in_specs=[
            pl.BlockSpec((NC, _ROWS, D), lambda i: (0, i, 0)),
            pl.BlockSpec((_ROWS, D), lambda i: (i, 0)),
            pl.BlockSpec((_ROWS, 1), lambda i: (i, 0)),
            pl.BlockSpec((1, D), lambda i: (0, 0)),
            pl.BlockSpec((D, D), lambda i: (0, 0)),
        ],
        out_specs=pl.BlockSpec((_ROWS, D), lambda i: (i, 0)),
        out_shape=jax.ShapeDtypeStruct((N_NODES, D), jnp.float32),
    )(sp, u, dis, b, Wnext)


def _final_body(s_ref, u_ref, dis_ref, b_ref, o_ref):
    o_ref[...] = dis_ref[...] * (s_ref[0] + s_ref[1] + u_ref[...]) \
        + b_ref[...]


def _final_call(sp, u, dis, b):
    grid = (N_NODES // _ROWS,)
    return pl.pallas_call(
        _final_body,
        grid=grid,
        in_specs=[
            pl.BlockSpec((NC, _ROWS, D), lambda i: (0, i, 0)),
            pl.BlockSpec((_ROWS, D), lambda i: (i, 0)),
            pl.BlockSpec((_ROWS, 1), lambda i: (i, 0)),
            pl.BlockSpec((1, D), lambda i: (0, 0)),
        ],
        out_specs=pl.BlockSpec((_ROWS, D), lambda i: (i, 0)),
        out_shape=jax.ShapeDtypeStruct((N_NODES, D), jnp.float32),
    )(sp, u, dis, b)



def kernel(x, edge_index, W1, b1, W2, b2, W3, b3):
    ei32 = edge_index.astype(jnp.int32)
    ei_r = ei32.reshape(2, NC, NS, NCHUNK, CHUNK)
    dstd_r = ei32[1].reshape(NC, NS, DEG_NCHUNK, DEG_CHUNK)

    zeros_acc = jnp.zeros((ROWS_PER_TILE, D), jnp.float32)
    zeros_deg = jnp.zeros((ROWS_PER_TILE, DEG_W), jnp.float32)
    ones_deg = jnp.ones((DEG_CHUNK, DEG_W), jnp.float32)

    degp = _deg_call(dstd_r, zeros_deg, ones_deg)

    b1r = b1.reshape(1, D)
    b2r = b2.reshape(1, D)
    b3r = b3.reshape(1, D)

    u1, dis = _mm1_call(x, W1, degp)
    s1 = _scatter_call(u1, ei_r, zeros_acc)
    u2 = _mid_call(s1, u1, dis, b1r, W2)
    s2 = _scatter_call(u2, ei_r, zeros_acc)
    u3 = _mid_call(s2, u2, dis, b2r, W3)
    s3 = _scatter_call(u3, ei_r, zeros_acc)
    return _final_call(s3, u3, dis, b3r)

# --- scband reference (transcript-rebuilt; emitter-appended) ---
"""Pipeline reference for scband-gcn-6167573037327 (READ-ONLY COPY).

The authoritative reference and input builder live on the scoring server;
editing this copy changes nothing except your own understanding.
"""

import jax, jax.numpy as jnp
import numpy as np

N_NODES = 10000
N_EDGES = 320000
D_IN = 128
D_HID = 128

def setup_inputs(seed: int = 0) -> dict:
    key = jax.random.key(seed)
    ks = jax.random.split(key, 8)
    x = jax.random.normal(ks[0], (N_NODES, D_IN), dtype=jnp.float32)
    edge_index = jax.random.randint(ks[1], (2, N_EDGES), 0, N_NODES, dtype=jnp.int64)
    def glorot(k, fan_in, fan_out):
        lim = (6.0 / (fan_in + fan_out)) ** 0.5
        return jax.random.uniform(k, (fan_in, fan_out), minval=-lim, maxval=lim, dtype=jnp.float32)
    W1 = glorot(ks[2], D_IN, D_HID)
    b1 = jnp.zeros((D_HID,), dtype=jnp.float32)
    W2 = glorot(ks[3], D_HID, D_HID)
    b2 = jnp.zeros((D_HID,), dtype=jnp.float32)
    W3 = glorot(ks[4], D_HID, D_HID)
    b3 = jnp.zeros((D_HID,), dtype=jnp.float32)
    return {"x": x, "edge_index": edge_index, "W1": W1, "b1": b1, "W2": W2, "b2": b2, "W3": W3, "b3": b3}

def gcn_conv(x, src, dst, W, b, num_nodes):
    # x' = D^-1/2 (A + I) D^-1/2 X W + b  (PyG GCNConv semantics, add_self_loops=True)
    h = x @ W
    deg = jnp.zeros((num_nodes,), dtype=h.dtype).at[dst].add(1.0)
    deg_inv_sqrt = jnp.where(deg > 0, deg ** -0.5, 0.0)
    norm = deg_inv_sqrt[src] * deg_inv_sqrt[dst]
    msgs = h[src] * norm[:, None]
    out = jnp.zeros_like(h).at[dst].add(msgs)
    return out + b

def reference(x, edge_index, W1, b1, W2, b2, W3, b3):
    num_nodes = x.shape[0]
    loop = jnp.arange(num_nodes, dtype=edge_index.dtype)
    src = jnp.concatenate([edge_index[0], loop])
    dst = jnp.concatenate([edge_index[1], loop])
    h = gcn_conv(x, src, dst, W1, b1, num_nodes)
    h = jax.nn.relu(h)
    # dropout is identity in eval mode
    h = gcn_conv(h, src, dst, W2, b2, num_nodes)
    h = jax.nn.relu(h)
    h = gcn_conv(h, src, dst, W3, b3, num_nodes)
    return h

if __name__ == "__main__":
    import jax
    _d = setup_inputs()
    print(jax.jit(kernel)(*tuple(_d.values())))

</pallas_src>

<mosaic_0001>
#map = affine_map<(d0, d1) -> (0, 0, 0, 0)>
#map1 = affine_map<(d0, d1) -> (0, 0)>
#map2 = affine_map<(d0, d1) -> (0, 0, 0)>
module attributes {stable_mosaic.version = 14 : i64} {
  func.func @_deg_body(%arg0: i32, %arg1: i32, %arg2: memref<2x16x80x125xi32, #tpu.memory_space<hbm>>, %arg3: memref<625x16xf32, #tpu.memory_space<hbm>>, %arg4: memref<125x16xf32, #tpu.memory_space<hbm>>, %arg5: memref<2x10000x16xf32, #tpu.memory_space<hbm>>, %arg6: memref<80x125xi32, #tpu.memory_space<vmem>>, %arg7: memref<125x16xf32, #tpu.memory_space<vmem>>, %arg8: memref<10000x16xf32, #tpu.memory_space<vmem_shared>>, %arg9: memref<!tpu.dma_semaphore, #tpu.memory_space<semaphore_mem>>) attributes {dimension_semantics = [#tpu.dimension_semantics<core_parallel>, #tpu.dimension_semantics<subcore_parallel>], iteration_bounds = array<i64: 2, 16>, scalar_prefetch = 0 : i64, scratch_operands = 4 : i64, tpu.core_type = #tpu.core_type<sc_vector_subcore>, window_params = [{transform_indices = #map}, {transform_indices = #map1}, {transform_indices = #map1}, {transform_indices = #map2}]} {
    "tpu.region"() ({
      %run_scoped3A = tpu.sem_alloc : memref<!tpu.dma_semaphore, #tpu.memory_space<semaphore_mem>>
      %dma_start3A = arith.constant 0 : i32
      %dma_start3A_15 = arith.constant 0 : i32
      %dma_start3A_16 = tpu.memref_slice %arg2[%arg0, %arg1, %dma_start3A, %dma_start3A_15] : memref<2x16x80x125xi32, #tpu.memory_space<hbm>> -> memref<1x1x80x125xi32, #tpu.memory_space<hbm>>
      %dma_start3A_17 = tpu.memref_squeeze %dma_start3A_16 : memref<1x1x80x125xi32, #tpu.memory_space<hbm>> -> memref<80x125xi32, #tpu.memory_space<hbm>>
      %dma_start3A_18 = arith.constant 0 : i32
      %dma_start3A_19 = arith.constant 0 : i32
      %dma_start3A_20 = tpu.memref_slice %arg2[%arg0, %arg1, %dma_start3A_18, %dma_start3A_19] : memref<2x16x80x125xi32, #tpu.memory_space<hbm>> -> memref<1x1x80x125xi32, #tpu.memory_space<hbm>>
      %dma_start3A_21 = tpu.memref_squeeze %dma_start3A_20 : memref<1x1x80x125xi32, #tpu.memory_space<hbm>> -> memref<80x125xi32, #tpu.memory_space<hbm>>
      tpu.enqueue_dma source(%dma_start3A_21 : memref<80x125xi32, #tpu.memory_space<hbm>>) target(%arg6 : memref<80x125xi32, #tpu.memory_space<vmem>>) target_semaphore(%run_scoped3A : memref<!tpu.dma_semaphore, #tpu.memory_space<semaphore_mem>>)
      %dma_wait3A = arith.constant 0 : i32
      %dma_wait3A_22 = arith.constant 0 : i32
      %dma_wait3A_23 = tpu.memref_slice %arg2[%arg0, %arg1, %dma_wait3A, %dma_wait3A_22] : memref<2x16x80x125xi32, #tpu.memory_space<hbm>> -> memref<1x1x80x125xi32, #tpu.memory_space<hbm>>
      %dma_wait3A_24 = tpu.memref_squeeze %dma_wait3A_23 : memref<1x1x80x125xi32, #tpu.memory_space<hbm>> -> memref<80x125xi32, #tpu.memory_space<hbm>>
      %dma_wait3A_25 = arith.constant 0 : i32
      %dma_wait3A_26 = arith.constant 0 : i32
      %dma_wait3A_27 = tpu.memref_slice %arg2[%arg0, %arg1, %dma_wait3A_25, %dma_wait3A_26] : memref<2x16x80x125xi32, #tpu.memory_space<hbm>> -> memref<1x1x80x125xi32, #tpu.memory_space<hbm>>
      %dma_wait3A_28 = tpu.memref_squeeze %dma_wait3A_27 : memref<1x1x80x125xi32, #tpu.memory_space<hbm>> -> memref<80x125xi32, #tpu.memory_space<hbm>>
      tpu.wait_dma2 semaphore(%run_scoped3A : memref<!tpu.dma_semaphore, #tpu.memory_space<semaphore_mem>>) src(%dma_wait3A_28 : memref<80x125xi32, #tpu.memory_space<hbm>>) dst(%arg6 : memref<80x125xi32, #tpu.memory_space<vmem>>)
      tpu.yield
    }) : () -> ()
    "tpu.region"() ({
      %run_scoped3A = tpu.sem_alloc : memref<!tpu.dma_semaphore, #tpu.memory_space<semaphore_mem>>
      tpu.enqueue_dma source(%arg4 : memref<125x16xf32, #tpu.memory_space<hbm>>) target(%arg7 : memref<125x16xf32, #tpu.memory_space<vmem>>) target_semaphore(%run_scoped3A : memref<!tpu.dma_semaphore, #tpu.memory_space<semaphore_mem>>)
      tpu.wait_dma2 semaphore(%run_scoped3A : memref<!tpu.dma_semaphore, #tpu.memory_space<semaphore_mem>>) src(%arg4 : memref<125x16xf32, #tpu.memory_space<hbm>>) dst(%arg7 : memref<125x16xf32, #tpu.memory_space<vmem>>)
      tpu.yield
    }) : () -> ()
    %mul3A = arith.constant 625 : i32
    %mul3A_0 = arith.muli %arg1, %mul3A : i32
    "tpu.region"() ({
      %run_scoped3A = tpu.sem_alloc : memref<!tpu.dma_semaphore, #tpu.memory_space<semaphore_mem>>
      %dma_start3A = arith.constant 0 : i32
      %dma_start3A_15 = tpu.memref_slice %arg8[%mul3A_0, %dma_start3A] : memref<10000x16xf32, #tpu.memory_space<vmem_shared>> -> memref<625x16xf32, #tpu.memory_space<vmem_shared>>
      tpu.enqueue_dma source(%arg3 : memref<625x16xf32, #tpu.memory_space<hbm>>) target(%dma_start3A_15 : memref<625x16xf32, #tpu.memory_space<vmem_shared>>) target_semaphore(%run_scoped3A : memref<!tpu.dma_semaphore, #tpu.memory_space<semaphore_mem>>)
      %dma_wait3A = arith.constant 0 : i32
      %dma_wait3A_16 = tpu.memref_slice %arg8[%mul3A_0, %dma_wait3A] : memref<10000x16xf32, #tpu.memory_space<vmem_shared>> -> memref<625x16xf32, #tpu.memory_space<vmem_shared>>
      tpu.wait_dma2 semaphore(%run_scoped3A : memref<!tpu.dma_semaphore, #tpu.memory_space<semaphore_mem>>) src(%arg3 : memref<625x16xf32, #tpu.memory_space<hbm>>) dst(%dma_wait3A_16 : memref<625x16xf32, #tpu.memory_space<vmem_shared>>)
      tpu.yield
    }) : () -> ()
    %barrier3A = arith.constant 0 : index
    tpu.barrier barrier_id(%barrier3A)
    %scan3A = arith.constant 0 : i32
    %scan3A_1 = arith.constant 0 : i32
    %scan3A_2 = arith.constant 80 : i32
    %scan3A_3 = arith.addi %scan3A_1, %scan3A_2 : i32
    %scan3A_4 = arith.constant 1 : i32
    scf.for %scan3A_15 = %scan3A_1 to %scan3A_3 step %scan3A_4  : i32 {
      %dma_start3A = arith.constant 0 : i32
      %dma_start3A_16 = tpu.memref_slice %arg6[%scan3A_15, %dma_start3A] : memref<80x125xi32, #tpu.memory_space<vmem>> -> memref<1x125xi32, #tpu.memory_space<vmem>>
      %dma_start3A_17 = tpu.memref_squeeze %dma_start3A_16 : memref<1x125xi32, #tpu.memory_space<vmem>> -> memref<125xi32, #tpu.memory_space<vmem>>
      %dma_start3A_18 = arith.constant 0 : i32
      %dma_start3A_19 = arith.constant 0 : i32
      %dma_start3A_20 = tpu.memref_slice %arg8[%dma_start3A_18, %dma_start3A_19] : memref<10000x16xf32, #tpu.memory_space<vmem_shared>> -> memref<10000x16xf32, #tpu.memory_space<vmem_shared>>
      tpu.enqueue_indirect_dma source(%arg7 : memref<125x16xf32, #tpu.memory_space<vmem>>) target(%dma_start3A_20 : memref<10000x16xf32, #tpu.memory_space<vmem_shared>>) offsets(%dma_start3A_17 : memref<125xi32, #tpu.memory_space<vmem>>) semaphore(%arg9 : memref<!tpu.dma_semaphore, #tpu.memory_space<semaphore_mem>>) {add = true}
    }
    %scan3A_5 = arith.constant 80 : i32
    %scan3A_6 = arith.constant 0 : i32
    %scan3A_7 = arith.constant 0 : i32
    %scan3A_8 = arith.constant 80 : i32
    %scan3A_9 = arith.addi %scan3A_7, %scan3A_8 : i32
    %scan3A_10 = arith.constant 1 : i32
    scf.for %scan3A_15 = %scan3A_7 to %scan3A_9 step %scan3A_10  : i32 {
      %dma_wait3A = arith.constant 0 : i32
      %dma_wait3A_16 = arith.constant 0 : i32
      %dma_wait3A_17 = tpu.memref_slice %arg6[%dma_wait3A, %dma_wait3A_16] : memref<80x125xi32, #tpu.memory_space<vmem>> -> memref<1x125xi32, #tpu.memory_space<vmem>>
      %dma_wait3A_18 = tpu.memref_squeeze %dma_wait3A_17 : memref<1x125xi32, #tpu.memory_space<vmem>> -> memref<125xi32, #tpu.memory_space<vmem>>
      %dma_wait3A_19 = arith.constant 0 : i32
      %dma_wait3A_20 = arith.constant 0 : i32
      %dma_wait3A_21 = tpu.memref_slice %arg8[%dma_wait3A_19, %dma_wait3A_20] : memref<10000x16xf32, #tpu.memory_space<vmem_shared>> -> memref<10000x16xf32, #tpu.memory_space<vmem_shared>>
      tpu.wait_indirect_dma semaphore(%arg9 : memref<!tpu.dma_semaphore, #tpu.memory_space<semaphore_mem>>) src(%arg7 : memref<125x16xf32, #tpu.memory_space<vmem>>) dst(%dma_wait3A_21 : memref<10000x16xf32, #tpu.memory_space<vmem_shared>>)
    }
    %scan3A_11 = arith.constant 80 : i32
    %barrier3A_12 = arith.constant 0 : index
    tpu.barrier barrier_id(%barrier3A_12)
    %mul3A_13 = arith.constant 625 : i32
    %mul3A_14 = arith.muli %arg1, %mul3A_13 : i32
    "tpu.region"() ({
      %run_scoped3A = tpu.sem_alloc : memref<!tpu.dma_semaphore, #tpu.memory_space<semaphore_mem>>
      %dma_start3A = arith.constant 0 : i32
      %dma_start3A_15 = tpu.memref_slice %arg5[%arg0, %mul3A_14, %dma_start3A] : memref<2x10000x16xf32, #tpu.memory_space<hbm>> -> memref<1x625x16xf32, #tpu.memory_space<hbm>>
      %dma_start3A_16 = tpu.memref_squeeze %dma_start3A_15 : memref<1x625x16xf32, #tpu.memory_space<hbm>> -> memref<625x16xf32, #tpu.memory_space<hbm>>
      %dma_start3A_17 = arith.constant 0 : i32
      %dma_start3A_18 = tpu.memref_slice %arg8[%mul3A_14, %dma_start3A_17] : memref<10000x16xf32, #tpu.memory_space<vmem_shared>> -> memref<625x16xf32, #tpu.memory_space<vmem_shared>>
      tpu.enqueue_dma source(%dma_start3A_18 : memref<625x16xf32, #tpu.memory_space<vmem_shared>>) target(%dma_start3A_16 : memref<625x16xf32, #tpu.memory_space<hbm>>) target_semaphore(%run_scoped3A : memref<!tpu.dma_semaphore, #tpu.memory_space<semaphore_mem>>)
      %dma_wait3A = arith.constant 0 : i32
      %dma_wait3A_19 = tpu.memref_slice %arg5[%arg0, %mul3A_14, %dma_wait3A] : memref<2x10000x16xf32, #tpu.memory_space<hbm>> -> memref<1x625x16xf32, #tpu.memory_space<hbm>>
      %dma_wait3A_20 = tpu.memref_squeeze %dma_wait3A_19 : memref<1x625x16xf32, #tpu.memory_space<hbm>> -> memref<625x16xf32, #tpu.memory_space<hbm>>
      %dma_wait3A_21 = arith.constant 0 : i32
      %dma_wait3A_22 = tpu.memref_slice %arg8[%mul3A_14, %dma_wait3A_21] : memref<10000x16xf32, #tpu.memory_space<vmem_shared>> -> memref<625x16xf32, #tpu.memory_space<vmem_shared>>
      tpu.wait_dma2 semaphore(%run_scoped3A : memref<!tpu.dma_semaphore, #tpu.memory_space<semaphore_mem>>) src(%dma_wait3A_22 : memref<625x16xf32, #tpu.memory_space<vmem_shared>>) dst(%dma_wait3A_20 : memref<625x16xf32, #tpu.memory_space<hbm>>)
      tpu.yield
    }) : () -> ()
    return
  }
}

#map = affine_map<(d0, d1) -> (0, 0)>
#map1 = affine_map<(d0, d1) -> (0, 0, 0, 0, 0)>
#map2 = affine_map<(d0, d1) -> (0, 0, 0)>
module attributes {stable_mosaic.version = 14 : i64} {
  func.func @_scatter_body(%arg0: i32, %arg1: i32, %arg2: memref<10000x128xf32, #tpu.memory_space<hbm>>, %arg3: memref<2x2x16x250x40xi32, #tpu.memory_space<hbm>>, %arg4: memref<625x128xf32, #tpu.memory_space<hbm>>, %arg5: memref<2x10000x128xf32, #tpu.memory_space<hbm>>, %arg6: memref<2x250x40xi32, #tpu.memory_space<vmem>>, %arg7: memref<6x40x128xf32, #tpu.memory_space<vmem>>, %arg8: memref<10000x128xf32, #tpu.memory_space<vmem_shared>>, %arg9: memref<!tpu.dma_semaphore, #tpu.memory_space<semaphore_mem>>) attributes {dimension_semantics = [#tpu.dimension_semantics<core_parallel>, #tpu.dimension_semantics<subcore_parallel>], iteration_bounds = array<i64: 2, 16>, scalar_prefetch = 0 : i64, scratch_operands = 4 : i64, tpu.core_type = #tpu.core_type<sc_vector_subcore>, window_params = [{transform_indices = #map}, {transform_indices = #map1}, {transform_indices = #map}, {transform_indices = #map2}]} {
    %run_scoped3A = arith.constant 0 : i32
    %run_scoped3A_0 = arith.constant 0 : i32
    "tpu.region"() ({
      %run_scoped3A_12 = tpu.sem_alloc : memref<!tpu.dma_semaphore, #tpu.memory_space<semaphore_mem>>
      %dma_start3A = arith.constant 0 : i32
      %dma_start3A_13 = arith.constant 0 : i32
      %dma_start3A_14 = tpu.memref_slice %arg6[%run_scoped3A_0, %dma_start3A, %dma_start3A_13] : memref<2x250x40xi32, #tpu.memory_space<vmem>> -> memref<1x250x40xi32, #tpu.memory_space<vmem>>
      %dma_start3A_15 = tpu.memref_squeeze %dma_start3A_14 : memref<1x250x40xi32, #tpu.memory_space<vmem>> -> memref<250x40xi32, #tpu.memory_space<vmem>>
      %dma_start3A_16 = arith.constant 0 : i32
      %dma_start3A_17 = arith.constant 0 : i32
      %dma_start3A_18 = tpu.memref_slice %arg3[%run_scoped3A, %arg0, %arg1, %dma_start3A_16, %dma_start3A_17] : memref<2x2x16x250x40xi32, #tpu.memory_space<hbm>> -> memref<1x1x1x250x40xi32, #tpu.memory_space<hbm>>
      %dma_start3A_19 = tpu.memref_squeeze %dma_start3A_18 : memref<1x1x1x250x40xi32, #tpu.memory_space<hbm>> -> memref<250x40xi32, #tpu.memory_space<hbm>>
      %dma_start3A_20 = arith.constant 0 : i32
      %dma_start3A_21 = arith.constant 0 : i32
      %dma_start3A_22 = tpu.memref_slice %arg6[%run_scoped3A_0, %dma_start3A_20, %dma_start3A_21] : memref<2x250x40xi32, #tpu.memory_space<vmem>> -> memref<1x250x40xi32, #tpu.memory_space<vmem>>
      %dma_start3A_23 = tpu.memref_squeeze %dma_start3A_22 : memref<1x250x40xi32, #tpu.memory_space<vmem>> -> memref<250x40xi32, #tpu.memory_space<vmem>>
      %dma_start3A_24 = arith.constant 0 : i32
      %dma_start3A_25 = arith.constant 0 : i32
      %dma_start3A_26 = tpu.memref_slice %arg3[%run_scoped3A, %arg0, %arg1, %dma_start3A_24, %dma_start3A_25] : memref<2x2x16x250x40xi32, #tpu.memory_space<hbm>> -> memref<1x1x1x250x40xi32, #tpu.memory_space<hbm>>
      %dma_start3A_27 = tpu.memref_squeeze %dma_start3A_26 : memref<1x1x1x250x40xi32, #tpu.memory_space<hbm>> -> memref<250x40xi32, #tpu.memory_space<hbm>>
      tpu.enqueue_dma source(%dma_start3A_27 : memref<250x40xi32, #tpu.memory_space<hbm>>) target(%dma_start3A_23 : memref<250x40xi32, #tpu.memory_space<vmem>>) target_semaphore(%run_scoped3A_12 : memref<!tpu.dma_semaphore, #tpu.memory_space<semaphore_mem>>)
      %dma_wait3A = arith.constant 0 : i32
      %dma_wait3A_28 = arith.constant 0 : i32
      %dma_wait3A_29 = tpu.memref_slice %arg6[%run_scoped3A_0, %dma_wait3A, %dma_wait3A_28] : memref<2x250x40xi32, #tpu.memory_space<vmem>> -> memref<1x250x40xi32, #tpu.memory_space<vmem>>
      %dma_wait3A_30 = tpu.memref_squeeze %dma_wait3A_29 : memref<1x250x40xi32, #tpu.memory_space<vmem>> -> memref<250x40xi32, #tpu.memory_space<vmem>>
      %dma_wait3A_31 = arith.constant 0 : i32
      %dma_wait3A_32 = arith.constant 0 : i32
      %dma_wait3A_33 = tpu.memref_slice %arg3[%run_scoped3A, %arg0, %arg1, %dma_wait3A_31, %dma_wait3A_32] : memref<2x2x16x250x40xi32, #tpu.memory_space<hbm>> -> memref<1x1x1x250x40xi32, #tpu.memory_space<hbm>>
      %dma_wait3A_34 = tpu.memref_squeeze %dma_wait3A_33 : memref<1x1x1x250x40xi32, #tpu.memory_space<hbm>> -> memref<250x40xi32, #tpu.memory_space<hbm>>
      %dma_wait3A_35 = arith.constant 0 : i32
      %dma_wait3A_36 = arith.constant 0 : i32
      %dma_wait3A_37 = tpu.memref_slice %arg6[%run_scoped3A_0, %dma_wait3A_35, %dma_wait3A_36] : memref<2x250x40xi32, #tpu.memory_space<vmem>> -> memref<1x250x40xi32, #tpu.memory_space<vmem>>
      %dma_wait3A_38 = tpu.memref_squeeze %dma_wait3A_37 : memref<1x250x40xi32, #tpu.memory_space<vmem>> -> memref<250x40xi32, #tpu.memory_space<vmem>>
      %dma_wait3A_39 = arith.constant 0 : i32
      %dma_wait3A_40 = arith.constant 0 : i32
      %dma_wait3A_41 = tpu.memref_slice %arg3[%run_scoped3A, %arg0, %arg1, %dma_wait3A_39, %dma_wait3A_40] : memref<2x2x16x250x40xi32, #tpu.memory_space<hbm>> -> memref<1x1x1x250x40xi32, #tpu.memory_space<hbm>>
      %dma_wait3A_42 = tpu.memref_squeeze %dma_wait3A_41 : memref<1x1x1x250x40xi32, #tpu.memory_space<hbm>> -> memref<250x40xi32, #tpu.memory_space<hbm>>
      tpu.wait_dma2 semaphore(%run_scoped3A_12 : memref<!tpu.dma_semaphore, #tpu.memory_space<semaphore_mem>>) src(%dma_wait3A_42 : memref<250x40xi32, #tpu.memory_space<hbm>>) dst(%dma_wait3A_38 : memref<250x40xi32, #tpu.memory_space<vmem>>)
      tpu.yield
    }) : () -> ()
    %run_scoped3A_1 = arith.constant 1 : i32
    %run_scoped3A_2 = arith.constant 1 : i32
    "tpu.region"() ({
      %run_scoped3A_12 = tpu.sem_alloc : memref<!tpu.dma_semaphore, #tpu.memory_space<semaphore_mem>>
      %dma_start3A = arith.constant 0 : i32
      %dma_start3A_13 = arith.constant 0 : i32
      %dma_start3A_14 = tpu.memref_slice %arg6[%run_scoped3A_2, %dma_start3A, %dma_start3A_13] : memref<2x250x40xi32, #tpu.memory_space<vmem>> -> memref<1x250x40xi32, #tpu.memory_space<vmem>>
      %dma_start3A_15 = tpu.memref_squeeze %dma_start3A_14 : memref<1x250x40xi32, #tpu.memory_space<vmem>> -> memref<250x40xi32, #tpu.memory_space<vmem>>
      %dma_start3A_16 = arith.constant 0 : i32
      %dma_start3A_17 = arith.constant 0 : i32
      %dma_start3A_18 = tpu.memref_slice %arg3[%run_scoped3A_1, %arg0, %arg1, %dma_start3A_16, %dma_start3A_17] : memref<2x2x16x250x40xi32, #tpu.memory_space<hbm>> -> memref<1x1x1x250x40xi32, #tpu.memory_space<hbm>>
      %dma_start3A_19 = tpu.memref_squeeze %dma_start3A_18 : memref<1x1x1x250x40xi32, #tpu.memory_space<hbm>> -> memref<250x40xi32, #tpu.memory_space<hbm>>
      %dma_start3A_20 = arith.constant 0 : i32
      %dma_start3A_21 = arith.constant 0 : i32
      %dma_start3A_22 = tpu.memref_slice %arg6[%run_scoped3A_2, %dma_start3A_20, %dma_start3A_21] : memref<2x250x40xi32, #tpu.memory_space<vmem>> -> memref<1x250x40xi32, #tpu.memory_space<vmem>>
      %dma_start3A_23 = tpu.memref_squeeze %dma_start3A_22 : memref<1x250x40xi32, #tpu.memory_space<vmem>> -> memref<250x40xi32, #tpu.memory_space<vmem>>
      %dma_start3A_24 = arith.constant 0 : i32
      %dma_start3A_25 = arith.constant 0 : i32
      %dma_start3A_26 = tpu.memref_slice %arg3[%run_scoped3A_1, %arg0, %arg1, %dma_start3A_24, %dma_start3A_25] : memref<2x2x16x250x40xi32, #tpu.memory_space<hbm>> -> memref<1x1x1x250x40xi32, #tpu.memory_space<hbm>>
      %dma_start3A_27 = tpu.memref_squeeze %dma_start3A_26 : memref<1x1x1x250x40xi32, #tpu.memory_space<hbm>> -> memref<250x40xi32, #tpu.memory_space<hbm>>
      tpu.enqueue_dma source(%dma_start3A_27 : memref<250x40xi32, #tpu.memory_space<hbm>>) target(%dma_start3A_23 : memref<250x40xi32, #tpu.memory_space<vmem>>) target_semaphore(%run_scoped3A_12 : memref<!tpu.dma_semaphore, #tpu.memory_space<semaphore_mem>>)
      %dma_wait3A = arith.constant 0 : i32
      %dma_wait3A_28 = arith.constant 0 : i32
      %dma_wait3A_29 = tpu.memref_slice %arg6[%run_scoped3A_2, %dma_wait3A, %dma_wait3A_28] : memref<2x250x40xi32, #tpu.memory_space<vmem>> -> memref<1x250x40xi32, #tpu.memory_space<vmem>>
      %dma_wait3A_30 = tpu.memref_squeeze %dma_wait3A_29 : memref<1x250x40xi32, #tpu.memory_space<vmem>> -> memref<250x40xi32, #tpu.memory_space<vmem>>
      %dma_wait3A_31 = arith.constant 0 : i32
      %dma_wait3A_32 = arith.constant 0 : i32
      %dma_wait3A_33 = tpu.memref_slice %arg3[%run_scoped3A_1, %arg0, %arg1, %dma_wait3A_31, %dma_wait3A_32] : memref<2x2x16x250x40xi32, #tpu.memory_space<hbm>> -> memref<1x1x1x250x40xi32, #tpu.memory_space<hbm>>
      %dma_wait3A_34 = tpu.memref_squeeze %dma_wait3A_33 : memref<1x1x1x250x40xi32, #tpu.memory_space<hbm>> -> memref<250x40xi32, #tpu.memory_space<hbm>>
      %dma_wait3A_35 = arith.constant 0 : i32
      %dma_wait3A_36 = arith.constant 0 : i32
      %dma_wait3A_37 = tpu.memref_slice %arg6[%run_scoped3A_2, %dma_wait3A_35, %dma_wait3A_36] : memref<2x250x40xi32, #tpu.memory_space<vmem>> -> memref<1x250x40xi32, #tpu.memory_space<vmem>>
      %dma_wait3A_38 = tpu.memref_squeeze %dma_wait3A_37 : memref<1x250x40xi32, #tpu.memory_space<vmem>> -> memref<250x40xi32, #tpu.memory_space<vmem>>
      %dma_wait3A_39 = arith.constant 0 : i32
      %dma_wait3A_40 = arith.constant 0 : i32
      %dma_wait3A_41 = tpu.memref_slice %arg3[%run_scoped3A_1, %arg0, %arg1, %dma_wait3A_39, %dma_wait3A_40] : memref<2x2x16x250x40xi32, #tpu.memory_space<hbm>> -> memref<1x1x1x250x40xi32, #tpu.memory_space<hbm>>
      %dma_wait3A_42 = tpu.memref_squeeze %dma_wait3A_41 : memref<1x1x1x250x40xi32, #tpu.memory_space<hbm>> -> memref<250x40xi32, #tpu.memory_space<hbm>>
      tpu.wait_dma2 semaphore(%run_scoped3A_12 : memref<!tpu.dma_semaphore, #tpu.memory_space<semaphore_mem>>) src(%dma_wait3A_42 : memref<250x40xi32, #tpu.memory_space<hbm>>) dst(%dma_wait3A_38 : memref<250x40xi32, #tpu.memory_space<vmem>>)
      tpu.yield
    }) : () -> ()
    %mul3A = arith.constant 625 : i32
    %mul3A_3 = arith.muli %arg1, %mul3A : i32
    "tpu.region"() ({
      %run_scoped3A_12 = tpu.sem_alloc : memref<!tpu.dma_semaphore, #tpu.memory_space<semaphore_mem>>
      %dma_start3A = arith.constant 0 : i32
      %dma_start3A_13 = tpu.memref_slice %arg8[%mul3A_3, %dma_start3A] : memref<10000x128xf32, #tpu.memory_space<vmem_shared>> -> memref<625x128xf32, #tpu.memory_space<vmem_shared>>
      tpu.enqueue_dma source(%arg4 : memref<625x128xf32, #tpu.memory_space<hbm>>) target(%dma_start3A_13 : memref<625x128xf32, #tpu.memory_space<vmem_shared>>) target_semaphore(%run_scoped3A_12 : memref<!tpu.dma_semaphore, #tpu.memory_space<semaphore_mem>>)
      %dma_wait3A = arith.constant 0 : i32
      %dma_wait3A_14 = tpu.memref_slice %arg8[%mul3A_3, %dma_wait3A] : memref<10000x128xf32, #tpu.memory_space<vmem_shared>> -> memref<625x128xf32, #tpu.memory_space<vmem_shared>>
      tpu.wait_dma2 semaphore(%run_scoped3A_12 : memref<!tpu.dma_semaphore, #tpu.memory_space<semaphore_mem>>) src(%arg4 : memref<625x128xf32, #tpu.memory_space<hbm>>) dst(%dma_wait3A_14 : memref<625x128xf32, #tpu.memory_space<vmem_shared>>)
      tpu.yield
    }) : () -> ()
    %barrier3A = arith.constant 0 : index
    tpu.barrier barrier_id(%barrier3A)
    %scan3A = arith.constant 0 : i32
    %scan3A_4 = arith.constant 0 : i32
    %scan3A_5 = arith.constant 256 : i32
    %scan3A_6 = arith.addi %scan3A_4, %scan3A_5 : i32
    %scan3A_7 = arith.constant 1 : i32
    scf.for %scan3A_12 = %scan3A_4 to %scan3A_6 step %scan3A_7  : i32 {
      %jit3A = arith.constant 6 : i32
      %eq3A = arith.constant 0 : i32
      %eq3A_13 = arith.cmpi eq, %jit3A, %eq3A : i32
      %jit3A_14 = arith.constant 1 : i32
      %select_n3A = arith.select %eq3A_13, %jit3A_14, %jit3A : i32
      %rem3A = arith.remsi %scan3A_12, %select_n3A : i32
      %ne3A = arith.constant 0 : i32
      %ne3A_15 = arith.cmpi ne, %rem3A, %ne3A : i32
      %lt3A = arith.constant 0 : i32
      %lt3A_16 = arith.cmpi slt, %rem3A, %lt3A : i32
      %lt3A_17 = arith.constant 0 : i32
      %lt3A_18 = arith.cmpi slt, %select_n3A, %lt3A_17 : i32
      %ne3A_19 = arith.xori %lt3A_16, %lt3A_18 : i1
      %and3A = arith.andi %ne3A_19, %ne3A_15 : i1
      %add3A = arith.addi %rem3A, %select_n3A : i32
      %select_n3A_20 = arith.select %and3A, %add3A, %rem3A : i32
      %ge3A = arith.constant 6 : i32
      %ge3A_21 = arith.cmpi sge, %scan3A_12, %ge3A : i32
      %convert_element_type3A = arith.extui %ge3A_21 : i1 to i32
      %cond3A = arith.constant 0 : i32
      %cond3A_22 = arith.cmpi ne, %convert_element_type3A, %cond3A : i32
      scf.if %cond3A_22 {
        %sub3A = arith.constant 6 : i32
        %sub3A_28 = arith.subi %scan3A_12, %sub3A : i32
        %dma_wait3A = arith.constant 0 : i32
        %dma_wait3A_29 = arith.constant 0 : i32
        %dma_wait3A_30 = arith.constant 0 : i32
        %dma_wait3A_31 = tpu.memref_slice %arg7[%select_n3A_20, %dma_wait3A_29, %dma_wait3A_30] : memref<6x40x128xf32, #tpu.memory_space<vmem>> -> memref<1x40x128xf32, #tpu.memory_space<vmem>>
        %dma_wait3A_32 = tpu.memref_squeeze %dma_wait3A_31 : memref<1x40x128xf32, #tpu.memory_space<vmem>> -> memref<40x128xf32, #tpu.memory_space<vmem>>
        %dma_wait3A_33 = arith.constant 0 : i32
        %dma_wait3A_34 = tpu.memref_slice %arg6[%dma_wait3A, %sub3A_28, %dma_wait3A_33] : memref<2x250x40xi32, #tpu.memory_space<vmem>> -> memref<1x1x40xi32, #tpu.memory_space<vmem>>
        %dma_wait3A_35 = tpu.memref_squeeze %dma_wait3A_34 : memref<1x1x40xi32, #tpu.memory_space<vmem>> -> memref<40xi32, #tpu.memory_space<vmem>>
        %dma_wait3A_36 = arith.constant 0 : i32
        %dma_wait3A_37 = arith.constant 0 : i32
        %dma_wait3A_38 = tpu.memref_slice %arg2[%dma_wait3A_36, %dma_wait3A_37] : memref<10000x128xf32, #tpu.memory_space<hbm>> -> memref<10000x128xf32, #tpu.memory_space<hbm>>
        tpu.wait_indirect_dma semaphore(%arg9 : memref<!tpu.dma_semaphore, #tpu.memory_space<semaphore_mem>>) src(%dma_wait3A_38 : memref<10000x128xf32, #tpu.memory_space<hbm>>) dst(%dma_wait3A_32 : memref<40x128xf32, #tpu.memory_space<vmem>>)
        %sub3A_39 = arith.constant 6 : i32
        %sub3A_40 = arith.subi %scan3A_12, %sub3A_39 : i32
        %run_scoped3A_41 = arith.constant 1 : i32
        "tpu.region"() ({
          %run_scoped3A_42 = tpu.sem_alloc : memref<!tpu.dma_semaphore, #tpu.memory_space<semaphore_mem>>
          %dma_start3A = arith.constant 0 : i32
          %dma_start3A_43 = arith.constant 0 : i32
          %dma_start3A_44 = tpu.memref_slice %arg7[%select_n3A_20, %dma_start3A, %dma_start3A_43] : memref<6x40x128xf32, #tpu.memory_space<vmem>> -> memref<1x40x128xf32, #tpu.memory_space<vmem>>
          %dma_start3A_45 = tpu.memref_squeeze %dma_start3A_44 : memref<1x40x128xf32, #tpu.memory_space<vmem>> -> memref<40x128xf32, #tpu.memory_space<vmem>>
          %dma_start3A_46 = arith.constant 0 : i32
          %dma_start3A_47 = tpu.memref_slice %arg6[%run_scoped3A_41, %sub3A_40, %dma_start3A_46] : memref<2x250x40xi32, #tpu.memory_space<vmem>> -> memref<1x1x40xi32, #tpu.memory_space<vmem>>
          %dma_start3A_48 = tpu.memref_squeeze %dma_start3A_47 : memref<1x1x40xi32, #tpu.memory_space<vmem>> -> memref<40xi32, #tpu.memory_space<vmem>>
          %dma_start3A_49 = arith.constant 0 : i32
          %dma_start3A_50 = arith.constant 0 : i32
          %dma_start3A_51 = tpu.memref_slice %arg8[%dma_start3A_49, %dma_start3A_50] : memref<10000x128xf32, #tpu.memory_space<vmem_shared>> -> memref<10000x128xf32, #tpu.memory_space<vmem_shared>>
          tpu.enqueue_indirect_dma source(%dma_start3A_45 : memref<40x128xf32, #tpu.memory_space<vmem>>) target(%dma_start3A_51 : memref<10000x128xf32, #tpu.memory_space<vmem_shared>>) offsets(%dma_start3A_48 : memref<40xi32, #tpu.memory_space<vmem>>) semaphore(%run_scoped3A_42 : memref<!tpu.dma_semaphore, #tpu.memory_space<semaphore_mem>>) {add = true}
          %dma_wait3A_52 = arith.constant 0 : i32
          %dma_wait3A_53 = arith.constant 0 : i32
          %dma_wait3A_54 = tpu.memref_slice %arg7[%select_n3A_20, %dma_wait3A_52, %dma_wait3A_53] : memref<6x40x128xf32, #tpu.memory_space<vmem>> -> memref<1x40x128xf32, #tpu.memory_space<vmem>>
          %dma_wait3A_55 = tpu.memref_squeeze %dma_wait3A_54 : memref<1x40x128xf32, #tpu.memory_space<vmem>> -> memref<40x128xf32, #tpu.memory_space<vmem>>
          %dma_wait3A_56 = arith.constant 0 : i32
          %dma_wait3A_57 = tpu.memref_slice %arg6[%run_scoped3A_41, %sub3A_40, %dma_wait3A_56] : memref<2x250x40xi32, #tpu.memory_space<vmem>> -> memref<1x1x40xi32, #tpu.memory_space<vmem>>
          %dma_wait3A_58 = tpu.memref_squeeze %dma_wait3A_57 : memref<1x1x40xi32, #tpu.memory_space<vmem>> -> memref<40xi32, #tpu.memory_space<vmem>>
          %dma_wait3A_59 = arith.constant 0 : i32
          %dma_wait3A_60 = arith.constant 0 : i32
          %dma_wait3A_61 = tpu.memref_slice %arg8[%dma_wait3A_59, %dma_wait3A_60] : memref<10000x128xf32, #tpu.memory_space<vmem_shared>> -> memref<10000x128xf32, #tpu.memory_space<vmem_shared>>
          tpu.wait_indirect_dma semaphore(%run_scoped3A_42 : memref<!tpu.dma_semaphore, #tpu.memory_space<semaphore_mem>>) src(%dma_wait3A_55 : memref<40x128xf32, #tpu.memory_space<vmem>>) dst(%dma_wait3A_61 : memref<10000x128xf32, #tpu.memory_space<vmem_shared>>)
          tpu.yield
        }) : () -> ()
      } else {
      }
      %lt3A_23 = arith.constant 250 : i32
      %lt3A_24 = arith.cmpi slt, %scan3A_12, %lt3A_23 : i32
      %convert_element_type3A_25 = arith.extui %lt3A_24 : i1 to i32
      %cond3A_26 = arith.constant 0 : i32
      %cond3A_27 = arith.cmpi ne, %convert_element_type3A_25, %cond3A_26 : i32
      scf.if %cond3A_27 {
        %dma_start3A = arith.constant 0 : i32
        %dma_start3A_28 = arith.constant 0 : i32
        %dma_start3A_29 = arith.constant 0 : i32
        %dma_start3A_30 = tpu.memref_slice %arg7[%select_n3A_20, %dma_start3A_28, %dma_start3A_29] : memref<6x40x128xf32, #tpu.memory_space<vmem>> -> memref<1x40x128xf32, #tpu.memory_space<vmem>>
        %dma_start3A_31 = tpu.memref_squeeze %dma_start3A_30 : memref<1x40x128xf32, #tpu.memory_space<vmem>> -> memref<40x128xf32, #tpu.memory_space<vmem>>
        %dma_start3A_32 = arith.constant 0 : i32
        %dma_start3A_33 = tpu.memref_slice %arg6[%dma_start3A, %scan3A_12, %dma_start3A_32] : memref<2x250x40xi32, #tpu.memory_space<vmem>> -> memref<1x1x40xi32, #tpu.memory_space<vmem>>
        %dma_start3A_34 = tpu.memref_squeeze %dma_start3A_33 : memref<1x1x40xi32, #tpu.memory_space<vmem>> -> memref<40xi32, #tpu.memory_space<vmem>>
        %dma_start3A_35 = arith.constant 0 : i32
        %dma_start3A_36 = arith.constant 0 : i32
        %dma_start3A_37 = tpu.memref_slice %arg2[%dma_start3A_35, %dma_start3A_36] : memref<10000x128xf32, #tpu.memory_space<hbm>> -> memref<10000x128xf32, #tpu.memory_space<hbm>>
        tpu.enqueue_indirect_dma source(%dma_start3A_37 : memref<10000x128xf32, #tpu.memory_space<hbm>>) target(%dma_start3A_31 : memref<40x128xf32, #tpu.memory_space<vmem>>) offsets(%dma_start3A_34 : memref<40xi32, #tpu.memory_space<vmem>>) semaphore(%arg9 : memref<!tpu.dma_semaphore, #tpu.memory_space<semaphore_mem>>)
      } else {
      }
    }
    %scan3A_8 = arith.constant 256 : i32
    %barrier3A_9 = arith.constant 0 : index
    tpu.barrier barrier_id(%barrier3A_9)
    %mul3A_10 = arith.constant 625 : i32
    %mul3A_11 = arith.muli %arg1, %mul3A_10 : i32
    "tpu.region"() ({
      %run_scoped3A_12 = tpu.sem_alloc : memref<!tpu.dma_semaphore, #tpu.memory_space<semaphore_mem>>
      %dma_start3A = arith.constant 0 : i32
      %dma_start3A_13 = tpu.memref_slice %arg5[%arg0, %mul3A_11, %dma_start3A] : memref<2x10000x128xf32, #tpu.memory_space<hbm>> -> memref<1x625x128xf32, #tpu.memory_space<hbm>>
      %dma_start3A_14 = tpu.memref_squeeze %dma_start3A_13 : memref<1x625x128xf32, #tpu.memory_space<hbm>> -> memref<625x128xf32, #tpu.memory_space<hbm>>
      %dma_start3A_15 = arith.constant 0 : i32
      %dma_start3A_16 = tpu.memref_slice %arg8[%mul3A_11, %dma_start3A_15] : memref<10000x128xf32, #tpu.memory_space<vmem_shared>> -> memref<625x128xf32, #tpu.memory_space<vmem_shared>>
      tpu.enqueue_dma source(%dma_start3A_16 : memref<625x128xf32, #tpu.memory_space<vmem_shared>>) target(%dma_start3A_14 : memref<625x128xf32, #tpu.memory_space<hbm>>) target_semaphore(%run_scoped3A_12 : memref<!tpu.dma_semaphore, #tpu.memory_space<semaphore_mem>>)
      %dma_wait3A = arith.constant 0 : i32
      %dma_wait3A_17 = tpu.memref_slice %arg5[%arg0, %mul3A_11, %dma_wait3A] : memref<2x10000x128xf32, #tpu.memory_space<hbm>> -> memref<1x625x128xf32, #tpu.memory_space<hbm>>
      %dma_wait3A_18 = tpu.memref_squeeze %dma_wait3A_17 : memref<1x625x128xf32, #tpu.memory_space<hbm>> -> memref<625x128xf32, #tpu.memory_space<hbm>>
      %dma_wait3A_19 = arith.constant 0 : i32
      %dma_wait3A_20 = tpu.memref_slice %arg8[%mul3A_11, %dma_wait3A_19] : memref<10000x128xf32, #tpu.memory_space<vmem_shared>> -> memref<625x128xf32, #tpu.memory_space<vmem_shared>>
      tpu.wait_dma2 semaphore(%run_scoped3A_12 : memref<!tpu.dma_semaphore, #tpu.memory_space<semaphore_mem>>) src(%dma_wait3A_20 : memref<625x128xf32, #tpu.memory_space<vmem_shared>>) dst(%dma_wait3A_18 : memref<625x128xf32, #tpu.memory_space<hbm>>)
      tpu.yield
    }) : () -> ()
    return
  }
}

#map = affine_map<(d0, d1) -> (0, 0)>
#map1 = affine_map<(d0, d1) -> (0, 0, 0, 0, 0)>
#map2 = affine_map<(d0, d1) -> (0, 0, 0)>
module attributes {stable_mosaic.version = 14 : i64} {
  func.func @_scatter_body(%arg0: i32, %arg1: i32, %arg2: memref<10000x128xf32, #tpu.memory_space<hbm>>, %arg3: memref<2x2x16x250x40xi32, #tpu.memory_space<hbm>>, %arg4: memref<625x128xf32, #tpu.memory_space<hbm>>, %arg5: memref<2x10000x128xf32, #tpu.memory_space<hbm>>, %arg6: memref<2x250x40xi32, #tpu.memory_space<vmem>>, %arg7: memref<6x40x128xf32, #tpu.memory_space<vmem>>, %arg8: memref<10000x128xf32, #tpu.memory_space<vmem_shared>>, %arg9: memref<!tpu.dma_semaphore, #tpu.memory_space<semaphore_mem>>) attributes {dimension_semantics = [#tpu.dimension_semantics<core_parallel>, #tpu.dimension_semantics<subcore_parallel>], iteration_bounds = array<i64: 2, 16>, scalar_prefetch = 0 : i64, scratch_operands = 4 : i64, tpu.core_type = #tpu.core_type<sc_vector_subcore>, window_params = [{transform_indices = #map}, {transform_indices = #map1}, {transform_indices = #map}, {transform_indices = #map2}]} {
    %run_scoped3A = arith.constant 0 : i32
    %run_scoped3A_0 = arith.constant 0 : i32
    "tpu.region"() ({
      %run_scoped3A_12 = tpu.sem_alloc : memref<!tpu.dma_semaphore, #tpu.memory_space<semaphore_mem>>
      %dma_start3A = arith.constant 0 : i32
      %dma_start3A_13 = arith.constant 0 : i32
      %dma_start3A_14 = tpu.memref_slice %arg6[%run_scoped3A_0, %dma_start3A, %dma_start3A_13] : memref<2x250x40xi32, #tpu.memory_space<vmem>> -> memref<1x250x40xi32, #tpu.memory_space<vmem>>
      %dma_start3A_15 = tpu.memref_squeeze %dma_start3A_14 : memref<1x250x40xi32, #tpu.memory_space<vmem>> -> memref<250x40xi32, #tpu.memory_space<vmem>>
      %dma_start3A_16 = arith.constant 0 : i32
      %dma_start3A_17 = arith.constant 0 : i32
      %dma_start3A_18 = tpu.memref_slice %arg3[%run_scoped3A, %arg0, %arg1, %dma_start3A_16, %dma_start3A_17] : memref<2x2x16x250x40xi32, #tpu.memory_space<hbm>> -> memref<1x1x1x250x40xi32, #tpu.memory_space<hbm>>
      %dma_start3A_19 = tpu.memref_squeeze %dma_start3A_18 : memref<1x1x1x250x40xi32, #tpu.memory_space<hbm>> -> memref<250x40xi32, #tpu.memory_space<hbm>>
      %dma_start3A_20 = arith.constant 0 : i32
      %dma_start3A_21 = arith.constant 0 : i32
      %dma_start3A_22 = tpu.memref_slice %arg6[%run_scoped3A_0, %dma_start3A_20, %dma_start3A_21] : memref<2x250x40xi32, #tpu.memory_space<vmem>> -> memref<1x250x40xi32, #tpu.memory_space<vmem>>
      %dma_start3A_23 = tpu.memref_squeeze %dma_start3A_22 : memref<1x250x40xi32, #tpu.memory_space<vmem>> -> memref<250x40xi32, #tpu.memory_space<vmem>>
      %dma_start3A_24 = arith.constant 0 : i32
      %dma_start3A_25 = arith.constant 0 : i32
      %dma_start3A_26 = tpu.memref_slice %arg3[%run_scoped3A, %arg0, %arg1, %dma_start3A_24, %dma_start3A_25] : memref<2x2x16x250x40xi32, #tpu.memory_space<hbm>> -> memref<1x1x1x250x40xi32, #tpu.memory_space<hbm>>
      %dma_start3A_27 = tpu.memref_squeeze %dma_start3A_26 : memref<1x1x1x250x40xi32, #tpu.memory_space<hbm>> -> memref<250x40xi32, #tpu.memory_space<hbm>>
      tpu.enqueue_dma source(%dma_start3A_27 : memref<250x40xi32, #tpu.memory_space<hbm>>) target(%dma_start3A_23 : memref<250x40xi32, #tpu.memory_space<vmem>>) target_semaphore(%run_scoped3A_12 : memref<!tpu.dma_semaphore, #tpu.memory_space<semaphore_mem>>)
      %dma_wait3A = arith.constant 0 : i32
      %dma_wait3A_28 = arith.constant 0 : i32
      %dma_wait3A_29 = tpu.memref_slice %arg6[%run_scoped3A_0, %dma_wait3A, %dma_wait3A_28] : memref<2x250x40xi32, #tpu.memory_space<vmem>> -> memref<1x250x40xi32, #tpu.memory_space<vmem>>
      %dma_wait3A_30 = tpu.memref_squeeze %dma_wait3A_29 : memref<1x250x40xi32, #tpu.memory_space<vmem>> -> memref<250x40xi32, #tpu.memory_space<vmem>>
      %dma_wait3A_31 = arith.constant 0 : i32
      %dma_wait3A_32 = arith.constant 0 : i32
      %dma_wait3A_33 = tpu.memref_slice %arg3[%run_scoped3A, %arg0, %arg1, %dma_wait3A_31, %dma_wait3A_32] : memref<2x2x16x250x40xi32, #tpu.memory_space<hbm>> -> memref<1x1x1x250x40xi32, #tpu.memory_space<hbm>>
      %dma_wait3A_34 = tpu.memref_squeeze %dma_wait3A_33 : memref<1x1x1x250x40xi32, #tpu.memory_space<hbm>> -> memref<250x40xi32, #tpu.memory_space<hbm>>
      %dma_wait3A_35 = arith.constant 0 : i32
      %dma_wait3A_36 = arith.constant 0 : i32
      %dma_wait3A_37 = tpu.memref_slice %arg6[%run_scoped3A_0, %dma_wait3A_35, %dma_wait3A_36] : memref<2x250x40xi32, #tpu.memory_space<vmem>> -> memref<1x250x40xi32, #tpu.memory_space<vmem>>
      %dma_wait3A_38 = tpu.memref_squeeze %dma_wait3A_37 : memref<1x250x40xi32, #tpu.memory_space<vmem>> -> memref<250x40xi32, #tpu.memory_space<vmem>>
      %dma_wait3A_39 = arith.constant 0 : i32
      %dma_wait3A_40 = arith.constant 0 : i32
      %dma_wait3A_41 = tpu.memref_slice %arg3[%run_scoped3A, %arg0, %arg1, %dma_wait3A_39, %dma_wait3A_40] : memref<2x2x16x250x40xi32, #tpu.memory_space<hbm>> -> memref<1x1x1x250x40xi32, #tpu.memory_space<hbm>>
      %dma_wait3A_42 = tpu.memref_squeeze %dma_wait3A_41 : memref<1x1x1x250x40xi32, #tpu.memory_space<hbm>> -> memref<250x40xi32, #tpu.memory_space<hbm>>
      tpu.wait_dma2 semaphore(%run_scoped3A_12 : memref<!tpu.dma_semaphore, #tpu.memory_space<semaphore_mem>>) src(%dma_wait3A_42 : memref<250x40xi32, #tpu.memory_space<hbm>>) dst(%dma_wait3A_38 : memref<250x40xi32, #tpu.memory_space<vmem>>)
      tpu.yield
    }) : () -> ()
    %run_scoped3A_1 = arith.constant 1 : i32
    %run_scoped3A_2 = arith.constant 1 : i32
    "tpu.region"() ({
      %run_scoped3A_12 = tpu.sem_alloc : memref<!tpu.dma_semaphore, #tpu.memory_space<semaphore_mem>>
      %dma_start3A = arith.constant 0 : i32
      %dma_start3A_13 = arith.constant 0 : i32
      %dma_start3A_14 = tpu.memref_slice %arg6[%run_scoped3A_2, %dma_start3A, %dma_start3A_13] : memref<2x250x40xi32, #tpu.memory_space<vmem>> -> memref<1x250x40xi32, #tpu.memory_space<vmem>>
      %dma_start3A_15 = tpu.memref_squeeze %dma_start3A_14 : memref<1x250x40xi32, #tpu.memory_space<vmem>> -> memref<250x40xi32, #tpu.memory_space<vmem>>
      %dma_start3A_16 = arith.constant 0 : i32
      %dma_start3A_17 = arith.constant 0 : i32
      %dma_start3A_18 = tpu.memref_slice %arg3[%run_scoped3A_1, %arg0, %arg1, %dma_start3A_16, %dma_start3A_17] : memref<2x2x16x250x40xi32, #tpu.memory_space<hbm>> -> memref<1x1x1x250x40xi32, #tpu.memory_space<hbm>>
      %dma_start3A_19 = tpu.memref_squeeze %dma_start3A_18 : memref<1x1x1x250x40xi32, #tpu.memory_space<hbm>> -> memref<250x40xi32, #tpu.memory_space<hbm>>
      %dma_start3A_20 = arith.constant 0 : i32
      %dma_start3A_21 = arith.constant 0 : i32
      %dma_start3A_22 = tpu.memref_slice %arg6[%run_scoped3A_2, %dma_start3A_20, %dma_start3A_21] : memref<2x250x40xi32, #tpu.memory_space<vmem>> -> memref<1x250x40xi32, #tpu.memory_space<vmem>>
      %dma_start3A_23 = tpu.memref_squeeze %dma_start3A_22 : memref<1x250x40xi32, #tpu.memory_space<vmem>> -> memref<250x40xi32, #tpu.memory_space<vmem>>
      %dma_start3A_24 = arith.constant 0 : i32
      %dma_start3A_25 = arith.constant 0 : i32
      %dma_start3A_26 = tpu.memref_slice %arg3[%run_scoped3A_1, %arg0, %arg1, %dma_start3A_24, %dma_start3A_25] : memref<2x2x16x250x40xi32, #tpu.memory_space<hbm>> -> memref<1x1x1x250x40xi32, #tpu.memory_space<hbm>>
      %dma_start3A_27 = tpu.memref_squeeze %dma_start3A_26 : memref<1x1x1x250x40xi32, #tpu.memory_space<hbm>> -> memref<250x40xi32, #tpu.memory_space<hbm>>
      tpu.enqueue_dma source(%dma_start3A_27 : memref<250x40xi32, #tpu.memory_space<hbm>>) target(%dma_start3A_23 : memref<250x40xi32, #tpu.memory_space<vmem>>) target_semaphore(%run_scoped3A_12 : memref<!tpu.dma_semaphore, #tpu.memory_space<semaphore_mem>>)
      %dma_wait3A = arith.constant 0 : i32
      %dma_wait3A_28 = arith.constant 0 : i32
      %dma_wait3A_29 = tpu.memref_slice %arg6[%run_scoped3A_2, %dma_wait3A, %dma_wait3A_28] : memref<2x250x40xi32, #tpu.memory_space<vmem>> -> memref<1x250x40xi32, #tpu.memory_space<vmem>>
      %dma_wait3A_30 = tpu.memref_squeeze %dma_wait3A_29 : memref<1x250x40xi32, #tpu.memory_space<vmem>> -> memref<250x40xi32, #tpu.memory_space<vmem>>
      %dma_wait3A_31 = arith.constant 0 : i32
      %dma_wait3A_32 = arith.constant 0 : i32
      %dma_wait3A_33 = tpu.memref_slice %arg3[%run_scoped3A_1, %arg0, %arg1, %dma_wait3A_31, %dma_wait3A_32] : memref<2x2x16x250x40xi32, #tpu.memory_space<hbm>> -> memref<1x1x1x250x40xi32, #tpu.memory_space<hbm>>
      %dma_wait3A_34 = tpu.memref_squeeze %dma_wait3A_33 : memref<1x1x1x250x40xi32, #tpu.memory_space<hbm>> -> memref<250x40xi32, #tpu.memory_space<hbm>>
      %dma_wait3A_35 = arith.constant 0 : i32
      %dma_wait3A_36 = arith.constant 0 : i32
      %dma_wait3A_37 = tpu.memref_slice %arg6[%run_scoped3A_2, %dma_wait3A_35, %dma_wait3A_36] : memref<2x250x40xi32, #tpu.memory_space<vmem>> -> memref<1x250x40xi32, #tpu.memory_space<vmem>>
      %dma_wait3A_38 = tpu.memref_squeeze %dma_wait3A_37 : memref<1x250x40xi32, #tpu.memory_space<vmem>> -> memref<250x40xi32, #tpu.memory_space<vmem>>
      %dma_wait3A_39 = arith.constant 0 : i32
      %dma_wait3A_40 = arith.constant 0 : i32
      %dma_wait3A_41 = tpu.memref_slice %arg3[%run_scoped3A_1, %arg0, %arg1, %dma_wait3A_39, %dma_wait3A_40] : memref<2x2x16x250x40xi32, #tpu.memory_space<hbm>> -> memref<1x1x1x250x40xi32, #tpu.memory_space<hbm>>
      %dma_wait3A_42 = tpu.memref_squeeze %dma_wait3A_41 : memref<1x1x1x250x40xi32, #tpu.memory_space<hbm>> -> memref<250x40xi32, #tpu.memory_space<hbm>>
      tpu.wait_dma2 semaphore(%run_scoped3A_12 : memref<!tpu.dma_semaphore, #tpu.memory_space<semaphore_mem>>) src(%dma_wait3A_42 : memref<250x40xi32, #tpu.memory_space<hbm>>) dst(%dma_wait3A_38 : memref<250x40xi32, #tpu.memory_space<vmem>>)
      tpu.yield
    }) : () -> ()
    %mul3A = arith.constant 625 : i32
    %mul3A_3 = arith.muli %arg1, %mul3A : i32
    "tpu.region"() ({
      %run_scoped3A_12 = tpu.sem_alloc : memref<!tpu.dma_semaphore, #tpu.memory_space<semaphore_mem>>
      %dma_start3A = arith.constant 0 : i32
      %dma_start3A_13 = tpu.memref_slice %arg8[%mul3A_3, %dma_start3A] : memref<10000x128xf32, #tpu.memory_space<vmem_shared>> -> memref<625x128xf32, #tpu.memory_space<vmem_shared>>
      tpu.enqueue_dma source(%arg4 : memref<625x128xf32, #tpu.memory_space<hbm>>) target(%dma_start3A_13 : memref<625x128xf32, #tpu.memory_space<vmem_shared>>) target_semaphore(%run_scoped3A_12 : memref<!tpu.dma_semaphore, #tpu.memory_space<semaphore_mem>>)
      %dma_wait3A = arith.constant 0 : i32
      %dma_wait3A_14 = tpu.memref_slice %arg8[%mul3A_3, %dma_wait3A] : memref<10000x128xf32, #tpu.memory_space<vmem_shared>> -> memref<625x128xf32, #tpu.memory_space<vmem_shared>>
      tpu.wait_dma2 semaphore(%run_scoped3A_12 : memref<!tpu.dma_semaphore, #tpu.memory_space<semaphore_mem>>) src(%arg4 : memref<625x128xf32, #tpu.memory_space<hbm>>) dst(%dma_wait3A_14 : memref<625x128xf32, #tpu.memory_space<vmem_shared>>)
      tpu.yield
    }) : () -> ()
    %barrier3A = arith.constant 0 : index
    tpu.barrier barrier_id(%barrier3A)
    %scan3A = arith.constant 0 : i32
    %scan3A_4 = arith.constant 0 : i32
    %scan3A_5 = arith.constant 256 : i32
    %scan3A_6 = arith.addi %scan3A_4, %scan3A_5 : i32
    %scan3A_7 = arith.constant 1 : i32
    scf.for %scan3A_12 = %scan3A_4 to %scan3A_6 step %scan3A_7  : i32 {
      %jit3A = arith.constant 6 : i32
      %eq3A = arith.constant 0 : i32
      %eq3A_13 = arith.cmpi eq, %jit3A, %eq3A : i32
      %jit3A_14 = arith.constant 1 : i32
      %select_n3A = arith.select %eq3A_13, %jit3A_14, %jit3A : i32
      %rem3A = arith.remsi %scan3A_12, %select_n3A : i32
      %ne3A = arith.constant 0 : i32
      %ne3A_15 = arith.cmpi ne, %rem3A, %ne3A : i32
      %lt3A = arith.constant 0 : i32
      %lt3A_16 = arith.cmpi slt, %rem3A, %lt3A : i32
      %lt3A_17 = arith.constant 0 : i32
      %lt3A_18 = arith.cmpi slt, %select_n3A, %lt3A_17 : i32
      %ne3A_19 = arith.xori %lt3A_16, %lt3A_18 : i1
      %and3A = arith.andi %ne3A_19, %ne3A_15 : i1
      %add3A = arith.addi %rem3A, %select_n3A : i32
      %select_n3A_20 = arith.select %and3A, %add3A, %rem3A : i32
      %ge3A = arith.constant 6 : i32
      %ge3A_21 = arith.cmpi sge, %scan3A_12, %ge3A : i32
      %convert_element_type3A = arith.extui %ge3A_21 : i1 to i32
      %cond3A = arith.constant 0 : i32
      %cond3A_22 = arith.cmpi ne, %convert_element_type3A, %cond3A : i32
      scf.if %cond3A_22 {
        %sub3A = arith.constant 6 : i32
        %sub3A_28 = arith.subi %scan3A_12, %sub3A : i32
        %dma_wait3A = arith.constant 0 : i32
        %dma_wait3A_29 = arith.constant 0 : i32
        %dma_wait3A_30 = arith.constant 0 : i32
        %dma_wait3A_31 = tpu.memref_slice %arg7[%select_n3A_20, %dma_wait3A_29, %dma_wait3A_30] : memref<6x40x128xf32, #tpu.memory_space<vmem>> -> memref<1x40x128xf32, #tpu.memory_space<vmem>>
        %dma_wait3A_32 = tpu.memref_squeeze %dma_wait3A_31 : memref<1x40x128xf32, #tpu.memory_space<vmem>> -> memref<40x128xf32, #tpu.memory_space<vmem>>
        %dma_wait3A_33 = arith.constant 0 : i32
        %dma_wait3A_34 = tpu.memref_slice %arg6[%dma_wait3A, %sub3A_28, %dma_wait3A_33] : memref<2x250x40xi32, #tpu.memory_space<vmem>> -> memref<1x1x40xi32, #tpu.memory_space<vmem>>
        %dma_wait3A_35 = tpu.memref_squeeze %dma_wait3A_34 : memref<1x1x40xi32, #tpu.memory_space<vmem>> -> memref<40xi32, #tpu.memory_space<vmem>>
        %dma_wait3A_36 = arith.constant 0 : i32
        %dma_wait3A_37 = arith.constant 0 : i32
        %dma_wait3A_38 = tpu.memref_slice %arg2[%dma_wait3A_36, %dma_wait3A_37] : memref<10000x128xf32, #tpu.memory_space<hbm>> -> memref<10000x128xf32, #tpu.memory_space<hbm>>
        tpu.wait_indirect_dma semaphore(%arg9 : memref<!tpu.dma_semaphore, #tpu.memory_space<semaphore_mem>>) src(%dma_wait3A_38 : memref<10000x128xf32, #tpu.memory_space<hbm>>) dst(%dma_wait3A_32 : memref<40x128xf32, #tpu.memory_space<vmem>>)
        %sub3A_39 = arith.constant 6 : i32
        %sub3A_40 = arith.subi %scan3A_12, %sub3A_39 : i32
        %run_scoped3A_41 = arith.constant 1 : i32
        "tpu.region"() ({
          %run_scoped3A_42 = tpu.sem_alloc : memref<!tpu.dma_semaphore, #tpu.memory_space<semaphore_mem>>
          %dma_start3A = arith.constant 0 : i32
          %dma_start3A_43 = arith.constant 0 : i32
          %dma_start3A_44 = tpu.memref_slice %arg7[%select_n3A_20, %dma_start3A, %dma_start3A_43] : memref<6x40x128xf32, #tpu.memory_space<vmem>> -> memref<1x40x128xf32, #tpu.memory_space<vmem>>
          %dma_start3A_45 = tpu.memref_squeeze %dma_start3A_44 : memref<1x40x128xf32, #tpu.memory_space<vmem>> -> memref<40x128xf32, #tpu.memory_space<vmem>>
          %dma_start3A_46 = arith.constant 0 : i32
          %dma_start3A_47 = tpu.memref_slice %arg6[%run_scoped3A_41, %sub3A_40, %dma_start3A_46] : memref<2x250x40xi32, #tpu.memory_space<vmem>> -> memref<1x1x40xi32, #tpu.memory_space<vmem>>
          %dma_start3A_48 = tpu.memref_squeeze %dma_start3A_47 : memref<1x1x40xi32, #tpu.memory_space<vmem>> -> memref<40xi32, #tpu.memory_space<vmem>>
          %dma_start3A_49 = arith.constant 0 : i32
          %dma_start3A_50 = arith.constant 0 : i32
          %dma_start3A_51 = tpu.memref_slice %arg8[%dma_start3A_49, %dma_start3A_50] : memref<10000x128xf32, #tpu.memory_space<vmem_shared>> -> memref<10000x128xf32, #tpu.memory_space<vmem_shared>>
          tpu.enqueue_indirect_dma source(%dma_start3A_45 : memref<40x128xf32, #tpu.memory_space<vmem>>) target(%dma_start3A_51 : memref<10000x128xf32, #tpu.memory_space<vmem_shared>>) offsets(%dma_start3A_48 : memref<40xi32, #tpu.memory_space<vmem>>) semaphore(%run_scoped3A_42 : memref<!tpu.dma_semaphore, #tpu.memory_space<semaphore_mem>>) {add = true}
          %dma_wait3A_52 = arith.constant 0 : i32
          %dma_wait3A_53 = arith.constant 0 : i32
          %dma_wait3A_54 = tpu.memref_slice %arg7[%select_n3A_20, %dma_wait3A_52, %dma_wait3A_53] : memref<6x40x128xf32, #tpu.memory_space<vmem>> -> memref<1x40x128xf32, #tpu.memory_space<vmem>>
          %dma_wait3A_55 = tpu.memref_squeeze %dma_wait3A_54 : memref<1x40x128xf32, #tpu.memory_space<vmem>> -> memref<40x128xf32, #tpu.memory_space<vmem>>
          %dma_wait3A_56 = arith.constant 0 : i32
          %dma_wait3A_57 = tpu.memref_slice %arg6[%run_scoped3A_41, %sub3A_40, %dma_wait3A_56] : memref<2x250x40xi32, #tpu.memory_space<vmem>> -> memref<1x1x40xi32, #tpu.memory_space<vmem>>
          %dma_wait3A_58 = tpu.memref_squeeze %dma_wait3A_57 : memref<1x1x40xi32, #tpu.memory_space<vmem>> -> memref<40xi32, #tpu.memory_space<vmem>>
          %dma_wait3A_59 = arith.constant 0 : i32
          %dma_wait3A_60 = arith.constant 0 : i32
          %dma_wait3A_61 = tpu.memref_slice %arg8[%dma_wait3A_59, %dma_wait3A_60] : memref<10000x128xf32, #tpu.memory_space<vmem_shared>> -> memref<10000x128xf32, #tpu.memory_space<vmem_shared>>
          tpu.wait_indirect_dma semaphore(%run_scoped3A_42 : memref<!tpu.dma_semaphore, #tpu.memory_space<semaphore_mem>>) src(%dma_wait3A_55 : memref<40x128xf32, #tpu.memory_space<vmem>>) dst(%dma_wait3A_61 : memref<10000x128xf32, #tpu.memory_space<vmem_shared>>)
          tpu.yield
        }) : () -> ()
      } else {
      }
      %lt3A_23 = arith.constant 250 : i32
      %lt3A_24 = arith.cmpi slt, %scan3A_12, %lt3A_23 : i32
      %convert_element_type3A_25 = arith.extui %lt3A_24 : i1 to i32
      %cond3A_26 = arith.constant 0 : i32
      %cond3A_27 = arith.cmpi ne, %convert_element_type3A_25, %cond3A_26 : i32
      scf.if %cond3A_27 {
        %dma_start3A = arith.constant 0 : i32
        %dma_start3A_28 = arith.constant 0 : i32
        %dma_start3A_29 = arith.constant 0 : i32
        %dma_start3A_30 = tpu.memref_slice %arg7[%select_n3A_20, %dma_start3A_28, %dma_start3A_29] : memref<6x40x128xf32, #tpu.memory_space<vmem>> -> memref<1x40x128xf32, #tpu.memory_space<vmem>>
        %dma_start3A_31 = tpu.memref_squeeze %dma_start3A_30 : memref<1x40x128xf32, #tpu.memory_space<vmem>> -> memref<40x128xf32, #tpu.memory_space<vmem>>
        %dma_start3A_32 = arith.constant 0 : i32
        %dma_start3A_33 = tpu.memref_slice %arg6[%dma_start3A, %scan3A_12, %dma_start3A_32] : memref<2x250x40xi32, #tpu.memory_space<vmem>> -> memref<1x1x40xi32, #tpu.memory_space<vmem>>
        %dma_start3A_34 = tpu.memref_squeeze %dma_start3A_33 : memref<1x1x40xi32, #tpu.memory_space<vmem>> -> memref<40xi32, #tpu.memory_space<vmem>>
        %dma_start3A_35 = arith.constant 0 : i32
        %dma_start3A_36 = arith.constant 0 : i32
        %dma_start3A_37 = tpu.memref_slice %arg2[%dma_start3A_35, %dma_start3A_36] : memref<10000x128xf32, #tpu.memory_space<hbm>> -> memref<10000x128xf32, #tpu.memory_space<hbm>>
        tpu.enqueue_indirect_dma source(%dma_start3A_37 : memref<10000x128xf32, #tpu.memory_space<hbm>>) target(%dma_start3A_31 : memref<40x128xf32, #tpu.memory_space<vmem>>) offsets(%dma_start3A_34 : memref<40xi32, #tpu.memory_space<vmem>>) semaphore(%arg9 : memref<!tpu.dma_semaphore, #tpu.memory_space<semaphore_mem>>)
      } else {
      }
    }
    %scan3A_8 = arith.constant 256 : i32
    %barrier3A_9 = arith.constant 0 : index
    tpu.barrier barrier_id(%barrier3A_9)
    %mul3A_10 = arith.constant 625 : i32
    %mul3A_11 = arith.muli %arg1, %mul3A_10 : i32
    "tpu.region"() ({
      %run_scoped3A_12 = tpu.sem_alloc : memref<!tpu.dma_semaphore, #tpu.memory_space<semaphore_mem>>
      %dma_start3A = arith.constant 0 : i32
      %dma_start3A_13 = tpu.memref_slice %arg5[%arg0, %mul3A_11, %dma_start3A] : memref<2x10000x128xf32, #tpu.memory_space<hbm>> -> memref<1x625x128xf32, #tpu.memory_space<hbm>>
      %dma_start3A_14 = tpu.memref_squeeze %dma_start3A_13 : memref<1x625x128xf32, #tpu.memory_space<hbm>> -> memref<625x128xf32, #tpu.memory_space<hbm>>
      %dma_start3A_15 = arith.constant 0 : i32
      %dma_start3A_16 = tpu.memref_slice %arg8[%mul3A_11, %dma_start3A_15] : memref<10000x128xf32, #tpu.memory_space<vmem_shared>> -> memref<625x128xf32, #tpu.memory_space<vmem_shared>>
      tpu.enqueue_dma source(%dma_start3A_16 : memref<625x128xf32, #tpu.memory_space<vmem_shared>>) target(%dma_start3A_14 : memref<625x128xf32, #tpu.memory_space<hbm>>) target_semaphore(%run_scoped3A_12 : memref<!tpu.dma_semaphore, #tpu.memory_space<semaphore_mem>>)
      %dma_wait3A = arith.constant 0 : i32
      %dma_wait3A_17 = tpu.memref_slice %arg5[%arg0, %mul3A_11, %dma_wait3A] : memref<2x10000x128xf32, #tpu.memory_space<hbm>> -> memref<1x625x128xf32, #tpu.memory_space<hbm>>
      %dma_wait3A_18 = tpu.memref_squeeze %dma_wait3A_17 : memref<1x625x128xf32, #tpu.memory_space<hbm>> -> memref<625x128xf32, #tpu.memory_space<hbm>>
      %dma_wait3A_19 = arith.constant 0 : i32
      %dma_wait3A_20 = tpu.memref_slice %arg8[%mul3A_11, %dma_wait3A_19] : memref<10000x128xf32, #tpu.memory_space<vmem_shared>> -> memref<625x128xf32, #tpu.memory_space<vmem_shared>>
      tpu.wait_dma2 semaphore(%run_scoped3A_12 : memref<!tpu.dma_semaphore, #tpu.memory_space<semaphore_mem>>) src(%dma_wait3A_20 : memref<625x128xf32, #tpu.memory_space<vmem_shared>>) dst(%dma_wait3A_18 : memref<625x128xf32, #tpu.memory_space<hbm>>)
      tpu.yield
    }) : () -> ()
    return
  }
}

#map = affine_map<(d0, d1) -> (0, 0)>
#map1 = affine_map<(d0, d1) -> (0, 0, 0, 0, 0)>
#map2 = affine_map<(d0, d1) -> (0, 0, 0)>
module attributes {stable_mosaic.version = 14 : i64} {
  func.func @_scatter_body(%arg0: i32, %arg1: i32, %arg2: memref<10000x128xf32, #tpu.memory_space<hbm>>, %arg3: memref<2x2x16x250x40xi32, #tpu.memory_space<hbm>>, %arg4: memref<625x128xf32, #tpu.memory_space<hbm>>, %arg5: memref<2x10000x128xf32, #tpu.memory_space<hbm>>, %arg6: memref<2x250x40xi32, #tpu.memory_space<vmem>>, %arg7: memref<6x40x128xf32, #tpu.memory_space<vmem>>, %arg8: memref<10000x128xf32, #tpu.memory_space<vmem_shared>>, %arg9: memref<!tpu.dma_semaphore, #tpu.memory_space<semaphore_mem>>) attributes {dimension_semantics = [#tpu.dimension_semantics<core_parallel>, #tpu.dimension_semantics<subcore_parallel>], iteration_bounds = array<i64: 2, 16>, scalar_prefetch = 0 : i64, scratch_operands = 4 : i64, tpu.core_type = #tpu.core_type<sc_vector_subcore>, window_params = [{transform_indices = #map}, {transform_indices = #map1}, {transform_indices = #map}, {transform_indices = #map2}]} {
    %run_scoped3A = arith.constant 0 : i32
    %run_scoped3A_0 = arith.constant 0 : i32
    "tpu.region"() ({
      %run_scoped3A_12 = tpu.sem_alloc : memref<!tpu.dma_semaphore, #tpu.memory_space<semaphore_mem>>
      %dma_start3A = arith.constant 0 : i32
      %dma_start3A_13 = arith.constant 0 : i32
      %dma_start3A_14 = tpu.memref_slice %arg6[%run_scoped3A_0, %dma_start3A, %dma_start3A_13] : memref<2x250x40xi32, #tpu.memory_space<vmem>> -> memref<1x250x40xi32, #tpu.memory_space<vmem>>
      %dma_start3A_15 = tpu.memref_squeeze %dma_start3A_14 : memref<1x250x40xi32, #tpu.memory_space<vmem>> -> memref<250x40xi32, #tpu.memory_space<vmem>>
      %dma_start3A_16 = arith.constant 0 : i32
      %dma_start3A_17 = arith.constant 0 : i32
      %dma_start3A_18 = tpu.memref_slice %arg3[%run_scoped3A, %arg0, %arg1, %dma_start3A_16, %dma_start3A_17] : memref<2x2x16x250x40xi32, #tpu.memory_space<hbm>> -> memref<1x1x1x250x40xi32, #tpu.memory_space<hbm>>
      %dma_start3A_19 = tpu.memref_squeeze %dma_start3A_18 : memref<1x1x1x250x40xi32, #tpu.memory_space<hbm>> -> memref<250x40xi32, #tpu.memory_space<hbm>>
      %dma_start3A_20 = arith.constant 0 : i32
      %dma_start3A_21 = arith.constant 0 : i32
      %dma_start3A_22 = tpu.memref_slice %arg6[%run_scoped3A_0, %dma_start3A_20, %dma_start3A_21] : memref<2x250x40xi32, #tpu.memory_space<vmem>> -> memref<1x250x40xi32, #tpu.memory_space<vmem>>
      %dma_start3A_23 = tpu.memref_squeeze %dma_start3A_22 : memref<1x250x40xi32, #tpu.memory_space<vmem>> -> memref<250x40xi32, #tpu.memory_space<vmem>>
      %dma_start3A_24 = arith.constant 0 : i32
      %dma_start3A_25 = arith.constant 0 : i32
      %dma_start3A_26 = tpu.memref_slice %arg3[%run_scoped3A, %arg0, %arg1, %dma_start3A_24, %dma_start3A_25] : memref<2x2x16x250x40xi32, #tpu.memory_space<hbm>> -> memref<1x1x1x250x40xi32, #tpu.memory_space<hbm>>
      %dma_start3A_27 = tpu.memref_squeeze %dma_start3A_26 : memref<1x1x1x250x40xi32, #tpu.memory_space<hbm>> -> memref<250x40xi32, #tpu.memory_space<hbm>>
      tpu.enqueue_dma source(%dma_start3A_27 : memref<250x40xi32, #tpu.memory_space<hbm>>) target(%dma_start3A_23 : memref<250x40xi32, #tpu.memory_space<vmem>>) target_semaphore(%run_scoped3A_12 : memref<!tpu.dma_semaphore, #tpu.memory_space<semaphore_mem>>)
      %dma_wait3A = arith.constant 0 : i32
      %dma_wait3A_28 = arith.constant 0 : i32
      %dma_wait3A_29 = tpu.memref_slice %arg6[%run_scoped3A_0, %dma_wait3A, %dma_wait3A_28] : memref<2x250x40xi32, #tpu.memory_space<vmem>> -> memref<1x250x40xi32, #tpu.memory_space<vmem>>
      %dma_wait3A_30 = tpu.memref_squeeze %dma_wait3A_29 : memref<1x250x40xi32, #tpu.memory_space<vmem>> -> memref<250x40xi32, #tpu.memory_space<vmem>>
      %dma_wait3A_31 = arith.constant 0 : i32
      %dma_wait3A_32 = arith.constant 0 : i32
      %dma_wait3A_33 = tpu.memref_slice %arg3[%run_scoped3A, %arg0, %arg1, %dma_wait3A_31, %dma_wait3A_32] : memref<2x2x16x250x40xi32, #tpu.memory_space<hbm>> -> memref<1x1x1x250x40xi32, #tpu.memory_space<hbm>>
      %dma_wait3A_34 = tpu.memref_squeeze %dma_wait3A_33 : memref<1x1x1x250x40xi32, #tpu.memory_space<hbm>> -> memref<250x40xi32, #tpu.memory_space<hbm>>
      %dma_wait3A_35 = arith.constant 0 : i32
      %dma_wait3A_36 = arith.constant 0 : i32
      %dma_wait3A_37 = tpu.memref_slice %arg6[%run_scoped3A_0, %dma_wait3A_35, %dma_wait3A_36] : memref<2x250x40xi32, #tpu.memory_space<vmem>> -> memref<1x250x40xi32, #tpu.memory_space<vmem>>
      %dma_wait3A_38 = tpu.memref_squeeze %dma_wait3A_37 : memref<1x250x40xi32, #tpu.memory_space<vmem>> -> memref<250x40xi32, #tpu.memory_space<vmem>>
      %dma_wait3A_39 = arith.constant 0 : i32
      %dma_wait3A_40 = arith.constant 0 : i32
      %dma_wait3A_41 = tpu.memref_slice %arg3[%run_scoped3A, %arg0, %arg1, %dma_wait3A_39, %dma_wait3A_40] : memref<2x2x16x250x40xi32, #tpu.memory_space<hbm>> -> memref<1x1x1x250x40xi32, #tpu.memory_space<hbm>>
      %dma_wait3A_42 = tpu.memref_squeeze %dma_wait3A_41 : memref<1x1x1x250x40xi32, #tpu.memory_space<hbm>> -> memref<250x40xi32, #tpu.memory_space<hbm>>
      tpu.wait_dma2 semaphore(%run_scoped3A_12 : memref<!tpu.dma_semaphore, #tpu.memory_space<semaphore_mem>>) src(%dma_wait3A_42 : memref<250x40xi32, #tpu.memory_space<hbm>>) dst(%dma_wait3A_38 : memref<250x40xi32, #tpu.memory_space<vmem>>)
      tpu.yield
    }) : () -> ()
    %run_scoped3A_1 = arith.constant 1 : i32
    %run_scoped3A_2 = arith.constant 1 : i32
    "tpu.region"() ({
      %run_scoped3A_12 = tpu.sem_alloc : memref<!tpu.dma_semaphore, #tpu.memory_space<semaphore_mem>>
      %dma_start3A = arith.constant 0 : i32
      %dma_start3A_13 = arith.constant 0 : i32
      %dma_start3A_14 = tpu.memref_slice %arg6[%run_scoped3A_2, %dma_start3A, %dma_start3A_13] : memref<2x250x40xi32, #tpu.memory_space<vmem>> -> memref<1x250x40xi32, #tpu.memory_space<vmem>>
      %dma_start3A_15 = tpu.memref_squeeze %dma_start3A_14 : memref<1x250x40xi32, #tpu.memory_space<vmem>> -> memref<250x40xi32, #tpu.memory_space<vmem>>
      %dma_start3A_16 = arith.constant 0 : i32
      %dma_start3A_17 = arith.constant 0 : i32
      %dma_start3A_18 = tpu.memref_slice %arg3[%run_scoped3A_1, %arg0, %arg1, %dma_start3A_16, %dma_start3A_17] : memref<2x2x16x250x40xi32, #tpu.memory_space<hbm>> -> memref<1x1x1x250x40xi32, #tpu.memory_space<hbm>>
      %dma_start3A_19 = tpu.memref_squeeze %dma_start3A_18 : memref<1x1x1x250x40xi32, #tpu.memory_space<hbm>> -> memref<250x40xi32, #tpu.memory_space<hbm>>
      %dma_start3A_20 = arith.constant 0 : i32
      %dma_start3A_21 = arith.constant 0 : i32
      %dma_start3A_22 = tpu.memref_slice %arg6[%run_scoped3A_2, %dma_start3A_20, %dma_start3A_21] : memref<2x250x40xi32, #tpu.memory_space<vmem>> -> memref<1x250x40xi32, #tpu.memory_space<vmem>>
      %dma_start3A_23 = tpu.memref_squeeze %dma_start3A_22 : memref<1x250x40xi32, #tpu.memory_space<vmem>> -> memref<250x40xi32, #tpu.memory_space<vmem>>
      %dma_start3A_24 = arith.constant 0 : i32
      %dma_start3A_25 = arith.constant 0 : i32
      %dma_start3A_26 = tpu.memref_slice %arg3[%run_scoped3A_1, %arg0, %arg1, %dma_start3A_24, %dma_start3A_25] : memref<2x2x16x250x40xi32, #tpu.memory_space<hbm>> -> memref<1x1x1x250x40xi32, #tpu.memory_space<hbm>>
      %dma_start3A_27 = tpu.memref_squeeze %dma_start3A_26 : memref<1x1x1x250x40xi32, #tpu.memory_space<hbm>> -> memref<250x40xi32, #tpu.memory_space<hbm>>
      tpu.enqueue_dma source(%dma_start3A_27 : memref<250x40xi32, #tpu.memory_space<hbm>>) target(%dma_start3A_23 : memref<250x40xi32, #tpu.memory_space<vmem>>) target_semaphore(%run_scoped3A_12 : memref<!tpu.dma_semaphore, #tpu.memory_space<semaphore_mem>>)
      %dma_wait3A = arith.constant 0 : i32
      %dma_wait3A_28 = arith.constant 0 : i32
      %dma_wait3A_29 = tpu.memref_slice %arg6[%run_scoped3A_2, %dma_wait3A, %dma_wait3A_28] : memref<2x250x40xi32, #tpu.memory_space<vmem>> -> memref<1x250x40xi32, #tpu.memory_space<vmem>>
      %dma_wait3A_30 = tpu.memref_squeeze %dma_wait3A_29 : memref<1x250x40xi32, #tpu.memory_space<vmem>> -> memref<250x40xi32, #tpu.memory_space<vmem>>
      %dma_wait3A_31 = arith.constant 0 : i32
      %dma_wait3A_32 = arith.constant 0 : i32
      %dma_wait3A_33 = tpu.memref_slice %arg3[%run_scoped3A_1, %arg0, %arg1, %dma_wait3A_31, %dma_wait3A_32] : memref<2x2x16x250x40xi32, #tpu.memory_space<hbm>> -> memref<1x1x1x250x40xi32, #tpu.memory_space<hbm>>
      %dma_wait3A_34 = tpu.memref_squeeze %dma_wait3A_33 : memref<1x1x1x250x40xi32, #tpu.memory_space<hbm>> -> memref<250x40xi32, #tpu.memory_space<hbm>>
      %dma_wait3A_35 = arith.constant 0 : i32
      %dma_wait3A_36 = arith.constant 0 : i32
      %dma_wait3A_37 = tpu.memref_slice %arg6[%run_scoped3A_2, %dma_wait3A_35, %dma_wait3A_36] : memref<2x250x40xi32, #tpu.memory_space<vmem>> -> memref<1x250x40xi32, #tpu.memory_space<vmem>>
      %dma_wait3A_38 = tpu.memref_squeeze %dma_wait3A_37 : memref<1x250x40xi32, #tpu.memory_space<vmem>> -> memref<250x40xi32, #tpu.memory_space<vmem>>
      %dma_wait3A_39 = arith.constant 0 : i32
      %dma_wait3A_40 = arith.constant 0 : i32
      %dma_wait3A_41 = tpu.memref_slice %arg3[%run_scoped3A_1, %arg0, %arg1, %dma_wait3A_39, %dma_wait3A_40] : memref<2x2x16x250x40xi32, #tpu.memory_space<hbm>> -> memref<1x1x1x250x40xi32, #tpu.memory_space<hbm>>
      %dma_wait3A_42 = tpu.memref_squeeze %dma_wait3A_41 : memref<1x1x1x250x40xi32, #tpu.memory_space<hbm>> -> memref<250x40xi32, #tpu.memory_space<hbm>>
      tpu.wait_dma2 semaphore(%run_scoped3A_12 : memref<!tpu.dma_semaphore, #tpu.memory_space<semaphore_mem>>) src(%dma_wait3A_42 : memref<250x40xi32, #tpu.memory_space<hbm>>) dst(%dma_wait3A_38 : memref<250x40xi32, #tpu.memory_space<vmem>>)
      tpu.yield
    }) : () -> ()
    %mul3A = arith.constant 625 : i32
    %mul3A_3 = arith.muli %arg1, %mul3A : i32
    "tpu.region"() ({
      %run_scoped3A_12 = tpu.sem_alloc : memref<!tpu.dma_semaphore, #tpu.memory_space<semaphore_mem>>
      %dma_start3A = arith.constant 0 : i32
      %dma_start3A_13 = tpu.memref_slice %arg8[%mul3A_3, %dma_start3A] : memref<10000x128xf32, #tpu.memory_space<vmem_shared>> -> memref<625x128xf32, #tpu.memory_space<vmem_shared>>
      tpu.enqueue_dma source(%arg4 : memref<625x128xf32, #tpu.memory_space<hbm>>) target(%dma_start3A_13 : memref<625x128xf32, #tpu.memory_space<vmem_shared>>) target_semaphore(%run_scoped3A_12 : memref<!tpu.dma_semaphore, #tpu.memory_space<semaphore_mem>>)
      %dma_wait3A = arith.constant 0 : i32
      %dma_wait3A_14 = tpu.memref_slice %arg8[%mul3A_3, %dma_wait3A] : memref<10000x128xf32, #tpu.memory_space<vmem_shared>> -> memref<625x128xf32, #tpu.memory_space<vmem_shared>>
      tpu.wait_dma2 semaphore(%run_scoped3A_12 : memref<!tpu.dma_semaphore, #tpu.memory_space<semaphore_mem>>) src(%arg4 : memref<625x128xf32, #tpu.memory_space<hbm>>) dst(%dma_wait3A_14 : memref<625x128xf32, #tpu.memory_space<vmem_shared>>)
      tpu.yield
    }) : () -> ()
    %barrier3A = arith.constant 0 : index
    tpu.barrier barrier_id(%barrier3A)
    %scan3A = arith.constant 0 : i32
    %scan3A_4 = arith.constant 0 : i32
    %scan3A_5 = arith.constant 256 : i32
    %scan3A_6 = arith.addi %scan3A_4, %scan3A_5 : i32
    %scan3A_7 = arith.constant 1 : i32
    scf.for %scan3A_12 = %scan3A_4 to %scan3A_6 step %scan3A_7  : i32 {
      %jit3A = arith.constant 6 : i32
      %eq3A = arith.constant 0 : i32
      %eq3A_13 = arith.cmpi eq, %jit3A, %eq3A : i32
      %jit3A_14 = arith.constant 1 : i32
      %select_n3A = arith.select %eq3A_13, %jit3A_14, %jit3A : i32
      %rem3A = arith.remsi %scan3A_12, %select_n3A : i32
      %ne3A = arith.constant 0 : i32
      %ne3A_15 = arith.cmpi ne, %rem3A, %ne3A : i32
      %lt3A = arith.constant 0 : i32
      %lt3A_16 = arith.cmpi slt, %rem3A, %lt3A : i32
      %lt3A_17 = arith.constant 0 : i32
      %lt3A_18 = arith.cmpi slt, %select_n3A, %lt3A_17 : i32
      %ne3A_19 = arith.xori %lt3A_16, %lt3A_18 : i1
      %and3A = arith.andi %ne3A_19, %ne3A_15 : i1
      %add3A = arith.addi %rem3A, %select_n3A : i32
      %select_n3A_20 = arith.select %and3A, %add3A, %rem3A : i32
      %ge3A = arith.constant 6 : i32
      %ge3A_21 = arith.cmpi sge, %scan3A_12, %ge3A : i32
      %convert_element_type3A = arith.extui %ge3A_21 : i1 to i32
      %cond3A = arith.constant 0 : i32
      %cond3A_22 = arith.cmpi ne, %convert_element_type3A, %cond3A : i32
      scf.if %cond3A_22 {
        %sub3A = arith.constant 6 : i32
        %sub3A_28 = arith.subi %scan3A_12, %sub3A : i32
        %dma_wait3A = arith.constant 0 : i32
        %dma_wait3A_29 = arith.constant 0 : i32
        %dma_wait3A_30 = arith.constant 0 : i32
        %dma_wait3A_31 = tpu.memref_slice %arg7[%select_n3A_20, %dma_wait3A_29, %dma_wait3A_30] : memref<6x40x128xf32, #tpu.memory_space<vmem>> -> memref<1x40x128xf32, #tpu.memory_space<vmem>>
        %dma_wait3A_32 = tpu.memref_squeeze %dma_wait3A_31 : memref<1x40x128xf32, #tpu.memory_space<vmem>> -> memref<40x128xf32, #tpu.memory_space<vmem>>
        %dma_wait3A_33 = arith.constant 0 : i32
        %dma_wait3A_34 = tpu.memref_slice %arg6[%dma_wait3A, %sub3A_28, %dma_wait3A_33] : memref<2x250x40xi32, #tpu.memory_space<vmem>> -> memref<1x1x40xi32, #tpu.memory_space<vmem>>
        %dma_wait3A_35 = tpu.memref_squeeze %dma_wait3A_34 : memref<1x1x40xi32, #tpu.memory_space<vmem>> -> memref<40xi32, #tpu.memory_space<vmem>>
        %dma_wait3A_36 = arith.constant 0 : i32
        %dma_wait3A_37 = arith.constant 0 : i32
        %dma_wait3A_38 = tpu.memref_slice %arg2[%dma_wait3A_36, %dma_wait3A_37] : memref<10000x128xf32, #tpu.memory_space<hbm>> -> memref<10000x128xf32, #tpu.memory_space<hbm>>
        tpu.wait_indirect_dma semaphore(%arg9 : memref<!tpu.dma_semaphore, #tpu.memory_space<semaphore_mem>>) src(%dma_wait3A_38 : memref<10000x128xf32, #tpu.memory_space<hbm>>) dst(%dma_wait3A_32 : memref<40x128xf32, #tpu.memory_space<vmem>>)
        %sub3A_39 = arith.constant 6 : i32
        %sub3A_40 = arith.subi %scan3A_12, %sub3A_39 : i32
        %run_scoped3A_41 = arith.constant 1 : i32
        "tpu.region"() ({
          %run_scoped3A_42 = tpu.sem_alloc : memref<!tpu.dma_semaphore, #tpu.memory_space<semaphore_mem>>
          %dma_start3A = arith.constant 0 : i32
          %dma_start3A_43 = arith.constant 0 : i32
          %dma_start3A_44 = tpu.memref_slice %arg7[%select_n3A_20, %dma_start3A, %dma_start3A_43] : memref<6x40x128xf32, #tpu.memory_space<vmem>> -> memref<1x40x128xf32, #tpu.memory_space<vmem>>
          %dma_start3A_45 = tpu.memref_squeeze %dma_start3A_44 : memref<1x40x128xf32, #tpu.memory_space<vmem>> -> memref<40x128xf32, #tpu.memory_space<vmem>>
          %dma_start3A_46 = arith.constant 0 : i32
          %dma_start3A_47 = tpu.memref_slice %arg6[%run_scoped3A_41, %sub3A_40, %dma_start3A_46] : memref<2x250x40xi32, #tpu.memory_space<vmem>> -> memref<1x1x40xi32, #tpu.memory_space<vmem>>
          %dma_start3A_48 = tpu.memref_squeeze %dma_start3A_47 : memref<1x1x40xi32, #tpu.memory_space<vmem>> -> memref<40xi32, #tpu.memory_space<vmem>>
          %dma_start3A_49 = arith.constant 0 : i32
          %dma_start3A_50 = arith.constant 0 : i32
          %dma_start3A_51 = tpu.memref_slice %arg8[%dma_start3A_49, %dma_start3A_50] : memref<10000x128xf32, #tpu.memory_space<vmem_shared>> -> memref<10000x128xf32, #tpu.memory_space<vmem_shared>>
          tpu.enqueue_indirect_dma source(%dma_start3A_45 : memref<40x128xf32, #tpu.memory_space<vmem>>) target(%dma_start3A_51 : memref<10000x128xf32, #tpu.memory_space<vmem_shared>>) offsets(%dma_start3A_48 : memref<40xi32, #tpu.memory_space<vmem>>) semaphore(%run_scoped3A_42 : memref<!tpu.dma_semaphore, #tpu.memory_space<semaphore_mem>>) {add = true}
          %dma_wait3A_52 = arith.constant 0 : i32
          %dma_wait3A_53 = arith.constant 0 : i32
          %dma_wait3A_54 = tpu.memref_slice %arg7[%select_n3A_20, %dma_wait3A_52, %dma_wait3A_53] : memref<6x40x128xf32, #tpu.memory_space<vmem>> -> memref<1x40x128xf32, #tpu.memory_space<vmem>>
          %dma_wait3A_55 = tpu.memref_squeeze %dma_wait3A_54 : memref<1x40x128xf32, #tpu.memory_space<vmem>> -> memref<40x128xf32, #tpu.memory_space<vmem>>
          %dma_wait3A_56 = arith.constant 0 : i32
          %dma_wait3A_57 = tpu.memref_slice %arg6[%run_scoped3A_41, %sub3A_40, %dma_wait3A_56] : memref<2x250x40xi32, #tpu.memory_space<vmem>> -> memref<1x1x40xi32, #tpu.memory_space<vmem>>
          %dma_wait3A_58 = tpu.memref_squeeze %dma_wait3A_57 : memref<1x1x40xi32, #tpu.memory_space<vmem>> -> memref<40xi32, #tpu.memory_space<vmem>>
          %dma_wait3A_59 = arith.constant 0 : i32
          %dma_wait3A_60 = arith.constant 0 : i32
          %dma_wait3A_61 = tpu.memref_slice %arg8[%dma_wait3A_59, %dma_wait3A_60] : memref<10000x128xf32, #tpu.memory_space<vmem_shared>> -> memref<10000x128xf32, #tpu.memory_space<vmem_shared>>
          tpu.wait_indirect_dma semaphore(%run_scoped3A_42 : memref<!tpu.dma_semaphore, #tpu.memory_space<semaphore_mem>>) src(%dma_wait3A_55 : memref<40x128xf32, #tpu.memory_space<vmem>>) dst(%dma_wait3A_61 : memref<10000x128xf32, #tpu.memory_space<vmem_shared>>)
          tpu.yield
        }) : () -> ()
      } else {
      }
      %lt3A_23 = arith.constant 250 : i32
      %lt3A_24 = arith.cmpi slt, %scan3A_12, %lt3A_23 : i32
      %convert_element_type3A_25 = arith.extui %lt3A_24 : i1 to i32
      %cond3A_26 = arith.constant 0 : i32
      %cond3A_27 = arith.cmpi ne, %convert_element_type3A_25, %cond3A_26 : i32
      scf.if %cond3A_27 {
        %dma_start3A = arith.constant 0 : i32
        %dma_start3A_28 = arith.constant 0 : i32
        %dma_start3A_29 = arith.constant 0 : i32
        %dma_start3A_30 = tpu.memref_slice %arg7[%select_n3A_20, %dma_start3A_28, %dma_start3A_29] : memref<6x40x128xf32, #tpu.memory_space<vmem>> -> memref<1x40x128xf32, #tpu.memory_space<vmem>>
        %dma_start3A_31 = tpu.memref_squeeze %dma_start3A_30 : memref<1x40x128xf32, #tpu.memory_space<vmem>> -> memref<40x128xf32, #tpu.memory_space<vmem>>
        %dma_start3A_32 = arith.constant 0 : i32
        %dma_start3A_33 = tpu.memref_slice %arg6[%dma_start3A, %scan3A_12, %dma_start3A_32] : memref<2x250x40xi32, #tpu.memory_space<vmem>> -> memref<1x1x40xi32, #tpu.memory_space<vmem>>
        %dma_start3A_34 = tpu.memref_squeeze %dma_start3A_33 : memref<1x1x40xi32, #tpu.memory_space<vmem>> -> memref<40xi32, #tpu.memory_space<vmem>>
        %dma_start3A_35 = arith.constant 0 : i32
        %dma_start3A_36 = arith.constant 0 : i32
        %dma_start3A_37 = tpu.memref_slice %arg2[%dma_start3A_35, %dma_start3A_36] : memref<10000x128xf32, #tpu.memory_space<hbm>> -> memref<10000x128xf32, #tpu.memory_space<hbm>>
        tpu.enqueue_indirect_dma source(%dma_start3A_37 : memref<10000x128xf32, #tpu.memory_space<hbm>>) target(%dma_start3A_31 : memref<40x128xf32, #tpu.memory_space<vmem>>) offsets(%dma_start3A_34 : memref<40xi32, #tpu.memory_space<vmem>>) semaphore(%arg9 : memref<!tpu.dma_semaphore, #tpu.memory_space<semaphore_mem>>)
      } else {
      }
    }
    %scan3A_8 = arith.constant 256 : i32
    %barrier3A_9 = arith.constant 0 : index
    tpu.barrier barrier_id(%barrier3A_9)
    %mul3A_10 = arith.constant 625 : i32
    %mul3A_11 = arith.muli %arg1, %mul3A_10 : i32
    "tpu.region"() ({
      %run_scoped3A_12 = tpu.sem_alloc : memref<!tpu.dma_semaphore, #tpu.memory_space<semaphore_mem>>
      %dma_start3A = arith.constant 0 : i32
      %dma_start3A_13 = tpu.memref_slice %arg5[%arg0, %mul3A_11, %dma_start3A] : memref<2x10000x128xf32, #tpu.memory_space<hbm>> -> memref<1x625x128xf32, #tpu.memory_space<hbm>>
      %dma_start3A_14 = tpu.memref_squeeze %dma_start3A_13 : memref<1x625x128xf32, #tpu.memory_space<hbm>> -> memref<625x128xf32, #tpu.memory_space<hbm>>
      %dma_start3A_15 = arith.constant 0 : i32
      %dma_start3A_16 = tpu.memref_slice %arg8[%mul3A_11, %dma_start3A_15] : memref<10000x128xf32, #tpu.memory_space<vmem_shared>> -> memref<625x128xf32, #tpu.memory_space<vmem_shared>>
      tpu.enqueue_dma source(%dma_start3A_16 : memref<625x128xf32, #tpu.memory_space<vmem_shared>>) target(%dma_start3A_14 : memref<625x128xf32, #tpu.memory_space<hbm>>) target_semaphore(%run_scoped3A_12 : memref<!tpu.dma_semaphore, #tpu.memory_space<semaphore_mem>>)
      %dma_wait3A = arith.constant 0 : i32
      %dma_wait3A_17 = tpu.memref_slice %arg5[%arg0, %mul3A_11, %dma_wait3A] : memref<2x10000x128xf32, #tpu.memory_space<hbm>> -> memref<1x625x128xf32, #tpu.memory_space<hbm>>
      %dma_wait3A_18 = tpu.memref_squeeze %dma_wait3A_17 : memref<1x625x128xf32, #tpu.memory_space<hbm>> -> memref<625x128xf32, #tpu.memory_space<hbm>>
      %dma_wait3A_19 = arith.constant 0 : i32
      %dma_wait3A_20 = tpu.memref_slice %arg8[%mul3A_11, %dma_wait3A_19] : memref<10000x128xf32, #tpu.memory_space<vmem_shared>> -> memref<625x128xf32, #tpu.memory_space<vmem_shared>>
      tpu.wait_dma2 semaphore(%run_scoped3A_12 : memref<!tpu.dma_semaphore, #tpu.memory_space<semaphore_mem>>) src(%dma_wait3A_20 : memref<625x128xf32, #tpu.memory_space<vmem_shared>>) dst(%dma_wait3A_18 : memref<625x128xf32, #tpu.memory_space<hbm>>)
      tpu.yield
    }) : () -> ()
    return
  }
}

module attributes {stable_mosaic.version = 14 : i64} {
  func.func @_mm1_body(%arg0: i32, %arg1: memref<1000x128xf32, #tpu.memory_space<vmem>>, %arg2: memref<128x128xf32, #tpu.memory_space<vmem>>, %arg3: memref<2x1000x16xf32, #tpu.memory_space<vmem>>, %arg4: memref<1000x128xf32, #tpu.memory_space<vmem>>, %arg5: memref<1000x1xf32, #tpu.memory_space<vmem>>) attributes {dimension_semantics = [#tpu.dimension_semantics<arbitrary>], iteration_bounds = array<i64: 10>, scalar_prefetch = 0 : i64, scratch_operands = 0 : i64, tpu.core_type = #tpu.core_type<tc>, window_params = [{transform_indices = @transform_0, window_bounds = array<i64: 1000, 128>}, {pipeline_mode = #tpu.pipeline_mode<synchronous>, transform_indices = @transform_1, window_bounds = array<i64: 128, 128>}, {transform_indices = @transform_2, window_bounds = array<i64: 2, 1000, 16>}, {transform_indices = @transform_3, window_bounds = array<i64: 1000, 128>}, {transform_indices = @transform_4, window_bounds = array<i64: 1000, 1>}]} {
    %get3A = arith.constant 0 : index
    %get3A_0 = arith.constant 0 : index
    %get3A_1 = arith.constant 0 : index
    %get3A_2 = vector.load %arg3[%get3A, %get3A_0, %get3A_1] : memref<2x1000x16xf32, #tpu.memory_space<vmem>>, vector<1x1000x1xf32>
    %get3A_3 = vector.shape_cast %get3A_2 : vector<1x1000x1xf32> to vector<1000x1xf32>
    %get3A_4 = arith.constant 1 : index
    %get3A_5 = arith.constant 0 : index
    %get3A_6 = arith.constant 0 : index
    %get3A_7 = vector.load %arg3[%get3A_4, %get3A_5, %get3A_6] : memref<2x1000x16xf32, #tpu.memory_space<vmem>>, vector<1x1000x1xf32>
    %get3A_8 = vector.shape_cast %get3A_7 : vector<1x1000x1xf32> to vector<1000x1xf32>
    %add3A = arith.addf %get3A_3, %get3A_8 : vector<1000x1xf32>
    %add3A_9 = arith.constant 1.000000e+00 : f32
    %add3A_10 = vector.broadcast %add3A_9 : f32 to vector<1000x1xf32>
    %add3A_11 = arith.addf %add3A_10, %add3A : vector<1000x1xf32>
    %rsqrt3A = math.rsqrt %add3A_11 : vector<1000x1xf32>
    %swap3A = arith.constant 0 : index
    %swap3A_12 = arith.constant 0 : index
    %swap3A_13 = vector.load %arg5[%swap3A, %swap3A_12] : memref<1000x1xf32, #tpu.memory_space<vmem>>, vector<1000x1xf32>
    tpu.vector_store %arg5[%swap3A, %swap3A_12], %rsqrt3A {strides = array<i32>} : memref<1000x1xf32, #tpu.memory_space<vmem>>, vector<1000x1xf32>,
    %get3A_14 = arith.constant 0 : index
    %get3A_15 = arith.constant 0 : index
    %get3A_16 = vector.load %arg1[%get3A_14, %get3A_15] : memref<1000x128xf32, #tpu.memory_space<vmem>>, vector<1000x128xf32>
    %get3A_17 = arith.constant 0 : index
    %get3A_18 = arith.constant 0 : index
    %get3A_19 = vector.load %arg2[%get3A_17, %get3A_18] : memref<128x128xf32, #tpu.memory_space<vmem>>, vector<128x128xf32>
    %dot_general3A = arith.constant dense<0.000000e+00> : vector<1000x128xf32>
    %dot_general3A_20 = tpu.matmul %get3A_16, %get3A_19, %dot_general3A {dimension_numbers = #tpu.dot_dimension_numbers<[1], [0], [0], [1], [0, 0, 1, 1], [], []>, transpose_lhs_hint = false} : vector<1000x128xf32>, vector<128x128xf32>, vector<1000x128xf32> -> vector<1000x128xf32>
    %mul3A = vector.broadcast %rsqrt3A : vector<1000x1xf32> to vector<1000x128xf32>
    %mul3A_21 = arith.mulf %dot_general3A_20, %mul3A : vector<1000x128xf32>
    %swap3A_22 = arith.constant 0 : index
    %swap3A_23 = arith.constant 0 : index
    %swap3A_24 = vector.load %arg4[%swap3A_22, %swap3A_23] : memref<1000x128xf32, #tpu.memory_space<vmem>>, vector<1000x128xf32>
    tpu.vector_store %arg4[%swap3A_22, %swap3A_23], %mul3A_21 {strides = array<i32>} : memref<1000x128xf32, #tpu.memory_space<vmem>>, vector<1000x128xf32>,
    return
  }
  func.func @transform_0(%arg0: i32) -> (i32, i32) {
    %c0_i32 = arith.constant 0 : i32
    %c0_i32_0 = arith.constant 0 : i32
    return %arg0, %c0_i32 : i32, i32
  }
  func.func @transform_1(%arg0: i32) -> (i32, i32) {
    %c0_i32 = arith.constant 0 : i32
    %c0_i32_0 = arith.constant 0 : i32
    %c0_i32_1 = arith.constant 0 : i32
    return %c0_i32, %c0_i32_0 : i32, i32
  }
  func.func @transform_2(%arg0: i32) -> (i32, i32, i32) {
    %c0_i32 = arith.constant 0 : i32
    %c0_i32_0 = arith.constant 0 : i32
    %c0_i32_1 = arith.constant 0 : i32
    return %c0_i32, %arg0, %c0_i32_0 : i32, i32, i32
  }
  func.func @transform_3(%arg0: i32) -> (i32, i32) {
    %c0_i32 = arith.constant 0 : i32
    %c0_i32_0 = arith.constant 0 : i32
    return %arg0, %c0_i32 : i32, i32
  }
  func.func @transform_4(%arg0: i32) -> (i32, i32) {
    %c0_i32 = arith.constant 0 : i32
    %c0_i32_0 = arith.constant 0 : i32
    return %arg0, %c0_i32 : i32, i32
  }
}

module attributes {stable_mosaic.version = 14 : i64} {
  func.func @_mid_body(%arg0: i32, %arg1: memref<2x1000x128xf32, #tpu.memory_space<vmem>>, %arg2: memref<1000x128xf32, #tpu.memory_space<vmem>>, %arg3: memref<1000x1xf32, #tpu.memory_space<vmem>>, %arg4: memref<1x128xf32, #tpu.memory_space<vmem>>, %arg5: memref<128x128xf32, #tpu.memory_space<vmem>>, %arg6: memref<1000x128xf32, #tpu.memory_space<vmem>>) attributes {dimension_semantics = [#tpu.dimension_semantics<arbitrary>], iteration_bounds = array<i64: 10>, scalar_prefetch = 0 : i64, scratch_operands = 0 : i64, tpu.core_type = #tpu.core_type<tc>, window_params = [{transform_indices = @transform_0, window_bounds = array<i64: 2, 1000, 128>}, {transform_indices = @transform_1, window_bounds = array<i64: 1000, 128>}, {transform_indices = @transform_2, window_bounds = array<i64: 1000, 1>}, {pipeline_mode = #tpu.pipeline_mode<synchronous>, transform_indices = @transform_3, window_bounds = array<i64: 1, 128>}, {pipeline_mode = #tpu.pipeline_mode<synchronous>, transform_indices = @transform_4, window_bounds = array<i64: 128, 128>}, {transform_indices = @transform_5, window_bounds = array<i64: 1000, 128>}]} {
    %get3A = arith.constant 0 : index
    %get3A_0 = arith.constant 0 : index
    %get3A_1 = vector.load %arg3[%get3A, %get3A_0] : memref<1000x1xf32, #tpu.memory_space<vmem>>, vector<1000x1xf32>
    %get3A_2 = arith.constant 0 : index
    %get3A_3 = arith.constant 0 : index
    %get3A_4 = arith.constant 0 : index
    %get3A_5 = vector.load %arg1[%get3A_2, %get3A_3, %get3A_4] : memref<2x1000x128xf32, #tpu.memory_space<vmem>>, vector<1x1000x128xf32>
    %get3A_6 = vector.shape_cast %get3A_5 : vector<1x1000x128xf32> to vector<1000x128xf32>
    %get3A_7 = arith.constant 1 : index
    %get3A_8 = arith.constant 0 : index
    %get3A_9 = arith.constant 0 : index
    %get3A_10 = vector.load %arg1[%get3A_7, %get3A_8, %get3A_9] : memref<2x1000x128xf32, #tpu.memory_space<vmem>>, vector<1x1000x128xf32>
    %get3A_11 = vector.shape_cast %get3A_10 : vector<1x1000x128xf32> to vector<1000x128xf32>
    %add3A = arith.addf %get3A_6, %get3A_11 : vector<1000x128xf32>
    %get3A_12 = arith.constant 0 : index
    %get3A_13 = arith.constant 0 : index
    %get3A_14 = vector.load %arg2[%get3A_12, %get3A_13] : memref<1000x128xf32, #tpu.memory_space<vmem>>, vector<1000x128xf32>
    %add3A_15 = arith.addf %add3A, %get3A_14 : vector<1000x128xf32>
    %mul3A = vector.broadcast %get3A_1 : vector<1000x1xf32> to vector<1000x128xf32>
    %mul3A_16 = arith.mulf %mul3A, %add3A_15 : vector<1000x128xf32>
    %get3A_17 = arith.constant 0 : index
    %get3A_18 = arith.constant 0 : index
    %get3A_19 = vector.load %arg4[%get3A_17, %get3A_18] : memref<1x128xf32, #tpu.memory_space<vmem>>, vector<1x128xf32>
    %add3A_20 = vector.broadcast %get3A_19 : vector<1x128xf32> to vector<1000x128xf32>
    %add3A_21 = arith.addf %mul3A_16, %add3A_20 : vector<1000x128xf32>
    %max3A = arith.constant 0.000000e+00 : f32
    %max3A_22 = vector.broadcast %max3A : f32 to vector<1000x128xf32>
    %max3A_23 = arith.maximumf %add3A_21, %max3A_22 : vector<1000x128xf32>
    %get3A_24 = arith.constant 0 : index
    %get3A_25 = arith.constant 0 : index
    %get3A_26 = vector.load %arg5[%get3A_24, %get3A_25] : memref<128x128xf32, #tpu.memory_space<vmem>>, vector<128x128xf32>
    %dot_general3A = arith.constant dense<0.000000e+00> : vector<1000x128xf32>
    %dot_general3A_27 = tpu.matmul %max3A_23, %get3A_26, %dot_general3A {dimension_numbers = #tpu.dot_dimension_numbers<[1], [0], [0], [1], [0, 0, 1, 1], [], []>, transpose_lhs_hint = false} : vector<1000x128xf32>, vector<128x128xf32>, vector<1000x128xf32> -> vector<1000x128xf32>
    %mul3A_28 = vector.broadcast %get3A_1 : vector<1000x1xf32> to vector<1000x128xf32>
    %mul3A_29 = arith.mulf %dot_general3A_27, %mul3A_28 : vector<1000x128xf32>
    %swap3A = arith.constant 0 : index
    %swap3A_30 = arith.constant 0 : index
    %swap3A_31 = vector.load %arg6[%swap3A, %swap3A_30] : memref<1000x128xf32, #tpu.memory_space<vmem>>, vector<1000x128xf32>
    tpu.vector_store %arg6[%swap3A, %swap3A_30], %mul3A_29 {strides = array<i32>} : memref<1000x128xf32, #tpu.memory_space<vmem>>, vector<1000x128xf32>,
    return
  }
  func.func @transform_0(%arg0: i32) -> (i32, i32, i32) {
    %c0_i32 = arith.constant 0 : i32
    %c0_i32_0 = arith.constant 0 : i32
    %c0_i32_1 = arith.constant 0 : i32
    return %c0_i32, %arg0, %c0_i32_0 : i32, i32, i32
  }
  func.func @transform_1(%arg0: i32) -> (i32, i32) {
    %c0_i32 = arith.constant 0 : i32
    %c0_i32_0 = arith.constant 0 : i32
    return %arg0, %c0_i32 : i32, i32
  }
  func.func @transform_2(%arg0: i32) -> (i32, i32) {
    %c0_i32 = arith.constant 0 : i32
    %c0_i32_0 = arith.constant 0 : i32
    return %arg0, %c0_i32 : i32, i32
  }
  func.func @transform_3(%arg0: i32) -> (i32, i32) {
    %c0_i32 = arith.constant 0 : i32
    %c0_i32_0 = arith.constant 0 : i32
    %c0_i32_1 = arith.constant 0 : i32
    return %c0_i32, %c0_i32_0 : i32, i32
  }
  func.func @transform_4(%arg0: i32) -> (i32, i32) {
    %c0_i32 = arith.constant 0 : i32
    %c0_i32_0 = arith.constant 0 : i32
    %c0_i32_1 = arith.constant 0 : i32
    return %c0_i32, %c0_i32_0 : i32, i32
  }
  func.func @transform_5(%arg0: i32) -> (i32, i32) {
    %c0_i32 = arith.constant 0 : i32
    %c0_i32_0 = arith.constant 0 : i32
    return %arg0, %c0_i32 : i32, i32
  }
}

module attributes {stable_mosaic.version = 14 : i64} {
  func.func @_final_body(%arg0: i32, %arg1: memref<2x1000x128xf32, #tpu.memory_space<vmem>>, %arg2: memref<1000x128xf32, #tpu.memory_space<vmem>>, %arg3: memref<1000x1xf32, #tpu.memory_space<vmem>>, %arg4: memref<1x128xf32, #tpu.memory_space<vmem>>, %arg5: memref<1000x128xf32, #tpu.memory_space<vmem>>) attributes {dimension_semantics = [#tpu.dimension_semantics<arbitrary>], iteration_bounds = array<i64: 10>, scalar_prefetch = 0 : i64, scratch_operands = 0 : i64, tpu.core_type = #tpu.core_type<tc>, window_params = [{transform_indices = @transform_0, window_bounds = array<i64: 2, 1000, 128>}, {transform_indices = @transform_1, window_bounds = array<i64: 1000, 128>}, {transform_indices = @transform_2, window_bounds = array<i64: 1000, 1>}, {pipeline_mode = #tpu.pipeline_mode<synchronous>, transform_indices = @transform_3, window_bounds = array<i64: 1, 128>}, {transform_indices = @transform_4, window_bounds = array<i64: 1000, 128>}]} {
    %get3A = arith.constant 0 : index
    %get3A_0 = arith.constant 0 : index
    %get3A_1 = vector.load %arg3[%get3A, %get3A_0] : memref<1000x1xf32, #tpu.memory_space<vmem>>, vector<1000x1xf32>
    %get3A_2 = arith.constant 0 : index
    %get3A_3 = arith.constant 0 : index
    %get3A_4 = arith.constant 0 : index
    %get3A_5 = vector.load %arg1[%get3A_2, %get3A_3, %get3A_4] : memref<2x1000x128xf32, #tpu.memory_space<vmem>>, vector<1x1000x128xf32>
    %get3A_6 = vector.shape_cast %get3A_5 : vector<1x1000x128xf32> to vector<1000x128xf32>
    %get3A_7 = arith.constant 1 : index
    %get3A_8 = arith.constant 0 : index
    %get3A_9 = arith.constant 0 : index
    %get3A_10 = vector.load %arg1[%get3A_7, %get3A_8, %get3A_9] : memref<2x1000x128xf32, #tpu.memory_space<vmem>>, vector<1x1000x128xf32>
    %get3A_11 = vector.shape_cast %get3A_10 : vector<1x1000x128xf32> to vector<1000x128xf32>
    %add3A = arith.addf %get3A_6, %get3A_11 : vector<1000x128xf32>
    %get3A_12 = arith.constant 0 : index
    %get3A_13 = arith.constant 0 : index
    %get3A_14 = vector.load %arg2[%get3A_12, %get3A_13] : memref<1000x128xf32, #tpu.memory_space<vmem>>, vector<1000x128xf32>
    %add3A_15 = arith.addf %add3A, %get3A_14 : vector<1000x128xf32>
    %mul3A = vector.broadcast %get3A_1 : vector<1000x1xf32> to vector<1000x128xf32>
    %mul3A_16 = arith.mulf %mul3A, %add3A_15 : vector<1000x128xf32>
    %get3A_17 = arith.constant 0 : index
    %get3A_18 = arith.constant 0 : index
    %get3A_19 = vector.load %arg4[%get3A_17, %get3A_18] : memref<1x128xf32, #tpu.memory_space<vmem>>, vector<1x128xf32>
    %add3A_20 = vector.broadcast %get3A_19 : vector<1x128xf32> to vector<1000x128xf32>
    %add3A_21 = arith.addf %mul3A_16, %add3A_20 : vector<1000x128xf32>
    %swap3A = arith.constant 0 : index
    %swap3A_22 = arith.constant 0 : index
    %swap3A_23 = vector.load %arg5[%swap3A, %swap3A_22] : memref<1000x128xf32, #tpu.memory_space<vmem>>, vector<1000x128xf32>
    tpu.vector_store %arg5[%swap3A, %swap3A_22], %add3A_21 {strides = array<i32>} : memref<1000x128xf32, #tpu.memory_space<vmem>>, vector<1000x128xf32>,
    return
  }
  func.func @transform_0(%arg0: i32) -> (i32, i32, i32) {
    %c0_i32 = arith.constant 0 : i32
    %c0_i32_0 = arith.constant 0 : i32
    %c0_i32_1 = arith.constant 0 : i32
    return %c0_i32, %arg0, %c0_i32_0 : i32, i32, i32
  }
  func.func @transform_1(%arg0: i32) -> (i32, i32) {
    %c0_i32 = arith.constant 0 : i32
    %c0_i32_0 = arith.constant 0 : i32
    return %arg0, %c0_i32 : i32, i32
  }
  func.func @transform_2(%arg0: i32) -> (i32, i32) {
    %c0_i32 = arith.constant 0 : i32
    %c0_i32_0 = arith.constant 0 : i32
    return %arg0, %c0_i32 : i32, i32
  }
  func.func @transform_3(%arg0: i32) -> (i32, i32) {
    %c0_i32 = arith.constant 0 : i32
    %c0_i32_0 = arith.constant 0 : i32
    %c0_i32_1 = arith.constant 0 : i32
    return %c0_i32, %c0_i32_0 : i32, i32
  }
  func.func @transform_4(%arg0: i32) -> (i32, i32) {
    %c0_i32 = arith.constant 0 : i32
    %c0_i32_0 = arith.constant 0 : i32
    return %arg0, %c0_i32 : i32, i32
  }
}

</mosaic_0001>

<sc_bundles>
// kernel: kernel.10.cloned.1.call-start
scs
__scs_entry_jumppad:
0x0: {  	(pc) =	sbr.rel $0x88, $3  }
0x1: {  	(tag) =	ssettag $0x0;
	lr =	simm.s32 $0x1  }
0x2: {  	[smem:$0x3F99] =	sst lr;
	_ =	strace $0xD0000000  }
0x3: {  	_ = 	snop  }
0x4: {  	_ = 	snop  }
0x5: {  	_ = 	snop  }
0x6: {  	_ = 	snop  }
0x7: {  	_ = 	snop  }
__scs_overlays_trampoline_lowered:
0x8: {  	[smem:$0x3FA8] =	sst s0  }
0x9: {  	[smem:$0x3FA9] =	sst s1  }
0xa: {  	[smem:$0x3FAA] =	sst s2  }
0xb: {  	[smem:$0x3FAB] =	sst s3  }
0xc: {  	[smem:$0x3FAC] =	sst s4  }
0xd: {  	[smem:$0x3FAD] =	sst s5  }
0xe: {  	[smem:$0x3FAE] =	sst s6  }
0xf: {  	[smem:$0x3FAF] =	sst s7  }
0x10: {  	[smem:$0x3FB0] =	sst s8  }
0x11: {  	[smem:$0x3FB1] =	sst s9;
	s0 =	simm.s32 @!p0 $0x0  }
0x12: {  	s1 =	sld [smem:$0x3F97];
	s0 =	simm.s32 @p0 $0x1  }
0x13: {  	[smem:$0x3FB2] =	sst s0;
	s0 =	simm.s32 @!p1 $0x0  }
0x14: {  	s2 =	sld [smem:$0x3F96];
	s0 =	simm.s32 @p1 $0x1  }
0x15: {  	[smem:$0x3FB3] =	sst s0;
	s0 =	simm.s32 @!p2 $0x0  }
0x16: {  	s3 =	sld [smem:$0x3FDB];
	s0 =	simm.s32 @p2 $0x1  }
0x17: {  	s4 =	simm.s32 $0x1BF5;
	[smem:$0x3FB5] =	sst s0  }
0x18: {  	s0 =	sld [smem:$0x3F98];
	_ =	swait.ge [sflag:s4], $0x0  }
0x19: {  	s7 =	sld [smem:$0x3F99]  }
0x1a: {  	s8 =	sadd.s32 $0xFFFFE003, lr  }
0x1b: {  	s9 =	sadd.s32 $0xFFFFFEF7, lr;
	s5 =	simm.s32 $0xFFFFFFFF;
	p2 =	slt.u32 s8, $0xFFFFF086  }
0x1c: {  	p1 =	slt.u32 s9, $0xF7A;
	s5 =	simm.s32 @!p2 $0x0  }
0x1d: {  	s5 =	simm.s32 @p1 $0x1;
	p0 =	seq.s32 s7, s2  }
0x1e: {  	s7 =	smul.u32 @!p0 $0xF7A, s2;
	p2 =	seq.s32 @!p0 s5, $0x0  }
0x1f: {  	s9 =	smul.u32 $0xF7A, s1;
	s8 =	simm.s32 @!p0 $0x1BF5;
	p2 =	por !p2, p0  }
0x20: {  	[sflag:s8] =	ssyncset.s32 @!p0 $0xFFFFF086;
	s6 =	sadd.s32 @!p0 s3, s7;
	s7 =	simm.s32 @!p0 $0x108  }
0x21: {  	s3 =	sadd.s32 s3, s9;
	s6 =	sadd.s32 @!p0 $0x88, s6;
	s7 =	simm.s32 @p2 $0x1082  }
0x22: {  	[simem:s7], [sflag:s8] =	dma.local @!p0 [hbm:s6], $0xF7A  }
0x23: {  	s9 =	sor.u32 $0xD0000000, s2;
	s6 =	simm.s32 $0x108;
	_ =	swait.ge @!p0 [sflag:s8], $0x0  }
0x24: {  	s3 =	sadd.s32 $0x88, s3;
	s6 =	simm.s32 @!p1 $0x1082;
	[sflag:s4] =	ssyncset.s32 $0xFFFFF086  }
0x25: {  	[simem:s6], [sflag:s4] =	dma.local [hbm:s3], $0xF7A  }
0x26: {  	[smem:$0x3F99] =	sst s1;
	(tag) =	ssettag s2;
	_ =	strace s9  }
0x27: {  	s1 =	sld [smem:$0x3FA9]  }
0x28: {  	s2 =	sld [smem:$0x3FAA]  }
0x29: {  	s4 =	sld [smem:$0x3FAC]  }
0x2a: {  	p0 =	seq.s32 s5, $0x0;
	s5 =	sld [smem:$0x3FAD]  }
0x2b: {  	s6 =	sld [smem:$0x3FAE]  }
0x2c: {  	s7 =	sld [smem:$0x3FAF]  }
0x2d: {  	s3 =	simm.s32 $0x108;
	s8 =	sld [smem:$0x3FB0]  }
0x2e: {  	s3 =	simm.s32 @!p0 $0x1082;
	s9 =	sld [smem:$0x3FB1]  }
0x2f: {  	lr =	sadd.s32 s0, s3;
	s0 =	sld [smem:$0x3FA8]  }
0x30: {  	s3 =	sld [smem:$0x3FAB]  }
0x31: {  	[smem:$0x3FB4] =	sst s10  }
0x32: {  	s10 =	sld [smem:$0x3FB2];
	_ =	sdelay $0x3  }
0x33: {  	p0 =	seq.s32 s10, $0x1;
	s10 =	sld [smem:$0x3FB4];
	_ =	sdelay $0x3  }
0x34: {  	[smem:$0x3FB4] =	sst s10  }
0x35: {  	s10 =	sld [smem:$0x3FB3];
	_ =	sdelay $0x3  }
0x36: {  	p1 =	seq.s32 s10, $0x1;
	s10 =	sld [smem:$0x3FB4];
	_ =	sdelay $0x3  }
0x37: {  	[smem:$0x3FB4] =	sst s10  }
0x38: {  	s10 =	sld [smem:$0x3FB5]  }
0x39: {  	_ = 	snop;
	(pc) =	sbr.ind lr, $3  }
0x3a: {  	_ = 	snop  }
0x3b: {  	_ = 	snop  }
0x3c: {  	p2 =	seq.s32 s10, $0x1;
	s10 =	sld [smem:$0x3FB4]  }
0x3d: {  	_ =	shalt  }
0x3e: {  	_ =	shalt  }
0x3f: {  	_ =	shalt  }
0x40: {  	_ =	shalt  }
0x41: {  	_ =	shalt  }
0x42: {  	_ =	shalt  }
0x43: {  	_ =	shalt  }
0x44: {  	_ =	shalt  }
0x45: {  	_ =	shalt  }
0x46: {  	_ =	shalt  }
0x47: {  	_ =	shalt  }
0x48: {  	_ =	shalt  }
0x49: {  	_ =	shalt  }
0x4a: {  	_ =	shalt  }
0x4b: {  	_ =	shalt  }
0x4c: {  	_ =	shalt  }
0x4d: {  	_ =	shalt  }
0x4e: {  	_ =	shalt  }
0x4f: {  	_ =	shalt  }
0x50: {  	_ =	shalt  }
0x51: {  	_ =	shalt  }
0x52: {  	_ =	shalt  }
0x53: {  	_ =	shalt  }
0x54: {  	_ =	shalt  }
0x55: {  	_ =	shalt  }
0x56: {  	_ =	shalt  }
0x57: {  	_ =	shalt  }
0x58: {  	_ =	shalt  }
0x59: {  	_ =	shalt  }
0x5a: {  	_ =	shalt  }
0x5b: {  	_ =	shalt  }
0x5c: {  	_ =	shalt  }
0x5d: {  	_ =	shalt  }
0x5e: {  	_ =	shalt  }
0x5f: {  	_ =	shalt  }
0x60: {  	_ =	shalt  }
0x61: {  	_ =	shalt  }
0x62: {  	_ =	shalt  }
0x63: {  	_ =	shalt  }
0x64: {  	_ =	shalt  }
0x65: {  	_ =	shalt  }
0x66: {  	_ =	shalt  }
0x67: {  	_ =	shalt  }
0x68: {  	_ =	shalt  }
0x69: {  	_ =	shalt  }
0x6a: {  	_ =	shalt  }
0x6b: {  	_ =	shalt  }
0x6c: {  	_ =	shalt  }
0x6d: {  	_ =	shalt  }
0x6e: {  	_ =	shalt  }
0x6f: {  	_ =	shalt  }
0x70: {  	_ =	shalt  }
0x71: {  	_ =	shalt  }
0x72: {  	_ =	shalt  }
0x73: {  	_ =	shalt  }
0x74: {  	_ =	shalt  }
0x75: {  	_ =	shalt  }
0x76: {  	_ =	shalt  }
0x77: {  	_ =	shalt  }
0x78: {  	_ =	shalt  }
0x79: {  	_ =	shalt  }
0x7a: {  	_ =	shalt  }
0x7b: {  	_ =	shalt  }
0x7c: {  	_ =	shalt  }
0x7d: {  	_ =	shalt  }
0x7e: {  	_ =	shalt  }
0x7f: {  	_ =	shalt  }
0x80: {  	_ =	shalt  }
0x81: {  	_ =	shalt  }
0x82: {  	_ =	shalt  }
0x83: {  	_ =	shalt  }
0x84: {  	_ =	shalt  }
0x85: {  	_ =	shalt  }
0x86: {  	_ =	shalt  }
0x87: {  	_ =	shalt  }
.Lfunc_end0:
.L_simem_size_0:
called_computation_lowered:
.L_overlay_start_0:
0x88: {  	s2 =	sld [smem:$0x3FD9]  }
0x89: {  	s3 =	sld [smem:$0x3FFE];
	_ =	sdelay $0x1  }
0x8a: {  	s1 =	srdreg.scid  }
0x8b: {  	s0 =	sand.u32 $0x1, s1  }
0x8c: {  	s17 =	sshll.u32 s0, $0xA;
	s2 =	sadd.s32 s3, s2  }
0x8d: {  	s2 =	sadd.s32 s2, s17  }
0x8e: {  	[smem:$0x3FC0] =	sst s2  }
0x8f: {  	_ = 	snop  }
0x90: {  	s2 =	sld [smem:$0x3FD0];
	(tm) =	ssettm $0x1  }
0x91: {  	s18 =	sld [smem:$0x3FFB];
	_ =	sdelay $0x3  }
0x92: {  	_ =	strace s18  }
0x93: {  	s3 =	sld [smem:$0x3FFC];
	_ =	sdelay $0x3  }
0x94: {  	_ =	strace s3  }
0x95: {  	s3 =	sld [smem:$0x3FFD];
	_ =	sdelay $0x3  }
0x96: {  	_ =	strace s3  }
0x97: {  	_ =	strace $0x8FFFFFFF  }
0x98: {  	s19 =	sld [smem:$0x3FDB];
	_ =	sdelay $0x1  }
0x99: {  	s4 =	simm.s32 $_scs_section_size  }
0x9a: {  	s5 =	simm.s32 $_size__tile_overlayer_lowered;
	s6 =	simm.s32 $_tile_overlayer_lowered  }
0x9b: {  	s22 =	simm.s32 $0x1BFF;
	s21 =	sshll.u32 s6, $0x1;
	s3 =	sadd.s32 s4, s19  }
0x9c: {  	s7 =	simm.s32 $0x0;
	s20 =	sshll.u32 s5, $0x1;
	s5 =	sadd.s32 s21, s3  }
0x9d: {  	[timem:s7], [sflag:s22] =	dma.local [hbm:s5], s20  }
0x9e: {  	_ =	swait.ge [sflag:s22], s20  }
0x9f: {  	s4 =	ssub.s32 $0x0, s20;
	[sflag:s22] =	ssyncset.done $0x0  }
0xa0: {  	[sflag:s22] =	ssyncadd.s32 s4;
	_ =	sdelay $0x1  }
0xa1: {  	s23 =	simm.s32 $0x1B8B  }
0xa2: {  	_ =	swait.ge [sflag:s23], $0x1  }
0xa3: {  	[sflag:s23] =	ssyncset.done $0x0  }
0xa4: {  	s25 =	simm.s32 $0x1B8E;
	s24 =	sld [smem:$0x3FFE];
	[sflag:s23] =	ssyncadd.s32 $0xFFFFFFFF  }
0xa5: {  	s26 =	simm.s32 $execute0_lowered;
	[smem:$0x3FD2] =	sst s25  }
0xa6: {  	s5 =	sshll.u32 s26, $0x1;
	_ =	strace $0x80000046;
	[dreg:$0x1] =	wrdreg $0xFFFFFFFF  }
0xa7: {  	s28 =	simm.s32 $_size_execute0_lowered;
	s3 =	sadd.s32 s3, s5;
	[dreg:$0x0] =	wrdreg $0x0  }
0xa8: {  	s5 =	sshll.u32 s28, $0x1;
	[dreg:$0x2] =	wrdreg s3  }
0xa9: {  	[dreg:$0x3] =	wrdreg s5  }
0xaa: {  	[dreg:$0x4] =	wrdreg $0xC0  }
0xab: {  	_ =	task [dreg:s7], $0x5FFFF  }
0xac: {  	[dreg:$0x1] =	wrdreg $0xFFFFFFFF  }
0xad: {  	[dreg:$0x0] =	wrdreg $0x60  }
0xae: {  	[dreg:$0x2] =	wrdreg s2  }
0xaf: {  	[dreg:$0x3] =	wrdreg s24  }
0xb0: {  	[dreg:$0x4] =	wrdreg $0x2FD00  }
0xb1: {  	[dreg:$0x5] =	wrdreg $0x9  }
0xb2: {  	_ =	task.clear_ibuf [dreg:s7], $0x6FFFF;
	_ =	strace $0x90000046  }
0xb3: {  	s29 =	simm.s32 $0x9;
	_ =	strace $0x80000048  }
0xb4: {  	_ =	swait.ge [sflag:s29], $0x1  }
0xb5: {  	[sflag:s29] =	ssyncadd.s32 $0xFFFFFFFF  }
0xb6: {  	_ =	strace $0x90000048  }
0xb7: {  	_ =	sfence  }
0xb8: {  	s30 =	sld [smem:$0x0];
	_ =	sdelay $0x2  }
0xb9: {  	s31 =	sshll.u32 s1, $0xD;
	s1 =	sshrl.u32 s1, $0x2  }
0xba: {  	s3 =	sand.u32 $0x4000, s31;
	s1 =	sadd.s32 s1, s30  }
0xbb: {  	s0 =	sor.u32 s3, s0;
	s1 =	sshll.u32 s1, $0x11  }
0xbc: {  	s0 =	sor.u32 s1, s0  }
0xbd: {  	s0 =	sadd.s32 $0x8F2B, s0  }
0xbe: {  	[sflag:s0] =	ssyncadd.remote.s32 $0x1  }
0xbf: {  	_ =	sfence.sel $0xFFFF  }
0xc0: {  	[dreg:$0x0] =	wrdreg $0xFFFFFFFF;
	(pc) =	sbr.abs _section_cstart, $3  }
0xc1: {  	[dreg:$0x1] =	wrdreg $0xFFFFFFFF  }
0xc2: {  	_ =	task.clear_ibuf [dreg:s7], $0x2FFFF;
	_ =	strace $0x9FFFFFFF  }
0xc3: {  	(tm) =	ssettm $0x7FFFFFFF  }
tec
execute0_lowered:
.L_overlay_start_1:
0x0: {  	(tag) =	ssettag $0x1  }
0x1: {  	s6 =	rddreg [dreg:$0x0]  }
0x2: {  	s7 =	rddreg [dreg:$0x1];
	s1 =	srdreg.scid  }
0x3: {  	s0 =	stileid.u32;
	s2 =	rddreg [dreg:$0x2];
	s3 =	simm.s32 $0x0  }
0x4: {  	s14 =	simm.s32 $0x1;
	s15 =	simm.s32 $0x0;
	s9 =	smul.u32 $0x2710, s0  }
0x5: {  	s8 =	sand.u32 $0x1, s1;
	s1 =	rddreg [dreg:$0x3];
	s12 =	smul.u32 $0x2800, s0  }
0x6: {  	[smem:$0x7FF] =	sst s3;
	s4 =	sadd.s32 $0x3400, s7;
	s10 =	smul.u32 $0x27100, s8  }
0x7: {  	s5 =	sadd.s32 $0x3200, s7;
	s11 =	smul.u32 $0x28000, s8;
	s8 =	ssub.s32 $0x2, s8  }
0x8: {  	s31 =	sshll.u32 s0, $0x6;
	_ =	strace $0x80000047;
	s13 =	sshrl.u32 s8, $0x1  }
0x9: {  	s30 =	sadd.s32 s9, s2;
	s10 =	sadd.s32 s9, s10;
	s11 =	sadd.s32 s12, s11  }
0xa: {  	s8 =	ssub.s32 s8, s13;
	s9 =	simm.s32 $0x2;
	s12 =	sshrl.u32 s30, $0x3  }
0xb: {  	s13 =	simm.s32 $0x7D;
	s10 =	sshrl.u32 s10, $0x3;
	s29 =	sshrl.u32 s11, $0x3  }
0xc: {  	s8 =	smax.u32 s8, $0x1;
	s11 =	sor.u32 $0x1C02, s31;
	s7 =	sadd.s32 s10, s7  }
0xd: {  	s6 =	sadd.s32 s6, s29;
	s10 =	simm.s32 $0x2800;
	s7 =	sadd.s32 $0x3A00, s7  }
.LBB2_1:
0xe: {  	[tilespmem:s3], [sflag:$0x2] =	stream.linear.gather [hbm4b:s6+s3], $0x2800, $0x38;
	[tilespmem:$0x56E0] =	vst v63  }
0xf: {  	_ =	swait.ge [sflag:s9], $0x2800  }
0x10: {  	[sflag:s9] =	ssyncset.done $0x0  }
0x11: {  	[sflag:s9] =	ssyncadd.s32 $0xFFFFD800  }
0x12: {  	[tilespmem:s10], [sflag:$0x2] =	stream.linear.gather [hbm4b:s5+s3], $0x7D0, $0x38;
	[tilespmem:$0x56E0] =	vst v63  }
0x13: {  	_ =	swait.ge [sflag:s9], $0x7D0  }
0x14: {  	[sflag:s9] =	ssyncset.done $0x0  }
0x15: {  	[sflag:s9] =	ssyncadd.s32 $0xFFFFF830  }
0x16: {  	[spmem:s12], [sflag:s11] =	dma.local [hbm:s4], $0x4E2  }
0x17: {  	_ =	swait.ge [sflag:s9], $0x4E2  }
0x18: {  	[sflag:s9] =	ssyncset.done $0x0  }
0x19: {  	[sflag:s9] =	ssyncadd.s32 $0xFFFFFB1E  }
0x1a: {  	s16 =	simm.s32 $0x0;
	[bflag:$0x0] =	sbarrier.arrive $0xFFFF  }
.LBB2_2:
0x1b: {  	p0 =	sne.s32 s16, $0x9E00  }
.Ltmp0:
0x1c: {  	_ = 	snop;
	(pc) =	sbr.rel @p0 .LBB2_2-.Ltmp0, $3  }
0x1d: {  	_ =	sdelay $0x1  }
0x1e: {  	s17 =	sshra.s32 s16, $0x2;
	s16 =	sadd.s32 $0x200, s16  }
0x1f: {  	[spmem:s2] =	stream.indirect.scatter.add.f32 [tilespmem:s10], [sflag:$0x1], $0x10, s17, s13, $0xb8;
	[tilespmem:$0x56E0] =	vst v63  }
0x20: {  	_ =	swait.ge [sflag:s14], $0x7D0  }
0x21: {  	s16 =	simm.s32 $0x4F;
	[sflag:s14] =	ssyncset.done $0x0  }
.LBB2_4:
0x22: {  	p0 =	sne.s32 s16, $0x1;
	s16 =	sadd.s32 $0xFFFFFFFF, s16;
	[sflag:s14] =	ssyncadd.s32 $0xFFFFF830  }
.Ltmp1:
0x23: {  	(pc) =	sbr.rel @p0 .LBB2_4-.Ltmp1, $3  }
0x24: {  	_ =	sdelay $0x1  }
0x25: {  	_ =	swait.ge [sflag:s14], $0x7D0  }
0x26: {  	[sflag:s14] =	ssyncset.done $0x0  }
0x27: {  	s15 =	sadd.s32 $0x1, s15  }
0x28: {  	[sflag:s14] =	ssyncadd.s32 $0xFFFFF830;
	p0 =	sne.s32 s15, s8  }
.Ltmp2:
0x29: {  	[bflag:$0x0] =	sbarrier.arrive $0xFFFF;
	(pc) =	sbr.rel @p0 .LBB2_1-.Ltmp2, $4  }
0x2a: {  	[hbm:s7], [sflag:s11] =	dma.local [spmem:s12], $0x4E2  }
0x2b: {  	_ =	swait.ge [sflag:s9], $0x4E2  }
0x2c: {  	[sflag:s9] =	ssyncset.done $0x0  }
0x2d: {  	[sflag:s9] =	ssyncadd.s32 $0xFFFFFB1E  }
0x2e: {  	_ =	sfence.sel $0x180000  }
0x2f: {  	[bflag:$0x0] =	sbarrier.arrive $0xFFFF  }
0x30: {  	p0 =	sne.s32 s0, $0x0;
	_ =	strace $0x90000047  }
0x31: {  	s0 =	sadd.s32 @!p0 $0x100000, s1;
	[bflag:$0x2] =	sbarrier.arrive $0xFFFF  }
0x32: {  	[sflag:s0] =	ssyncadd.tile.s32 @!p0 $0x1;
	_ =	shalt  }
.Lfunc_end2:
_tile_overlayer_lowered:
.L_overlay_start_2:
0x33: {  	(tag) =	ssettag $0x2  }
0x34: {  	s0 =	rddreg [dreg:$0x0];
	s2 =	stileid.u32  }
0x35: {  	s1 =	rddreg [dreg:$0x1];
	p0 =	sne.s32 s2, $0x0  }
0x36: {  	s3 =	rddreg [dreg:$0x2];
	[bflag:$0x3] =	sbarrier.arrive $0xFFFF;
	s2 =	simm.s32 @!p0 $0x1C02  }
0x37: {  	[timem:s3], [sflag:s2] =	dma.local @!p0 [hbm:s0], s1  }
0x38: {  	s0 =	simm.s32 @!p0 $0x2  }
0x39: {  	_ =	swait.ge @!p0 [sflag:s0], s1  }
0x3a: {  	s1 =	ssub.s32 @!p0 $0x0, s1;
	[sflag:s0] =	ssyncset.done @!p0 $0x0  }
0x3b: {  	[sflag:s0] =	ssyncadd.s32 @!p0 s1  }
0x3c: {  	[bflag:$0x3] =	sbarrier.arrive $0xFFFF  }
0x3d: {  	_ =	shalt  }

// kernel: kernel.13.cloned.1.call-start
scs
__scs_entry_jumppad:
0x0: {  	(pc) =	sbr.rel $0x88, $3  }
0x1: {  	(tag) =	ssettag $0x0;
	lr =	simm.s32 $0x1  }
0x2: {  	[smem:$0x3F99] =	sst lr;
	_ =	strace $0xD0000000  }
0x3: {  	_ = 	snop  }
0x4: {  	_ = 	snop  }
0x5: {  	_ = 	snop  }
0x6: {  	_ = 	snop  }
0x7: {  	_ = 	snop  }
__scs_overlays_trampoline_lowered:
0x8: {  	[smem:$0x3FA8] =	sst s0  }
0x9: {  	[smem:$0x3FA9] =	sst s1  }
0xa: {  	[smem:$0x3FAA] =	sst s2  }
0xb: {  	[smem:$0x3FAB] =	sst s3  }
0xc: {  	[smem:$0x3FAC] =	sst s4  }
0xd: {  	[smem:$0x3FAD] =	sst s5  }
0xe: {  	[smem:$0x3FAE] =	sst s6  }
0xf: {  	[smem:$0x3FAF] =	sst s7  }
0x10: {  	[smem:$0x3FB0] =	sst s8  }
0x11: {  	[smem:$0x3FB1] =	sst s9;
	s0 =	simm.s32 @!p0 $0x0  }
0x12: {  	s1 =	sld [smem:$0x3F97];
	s0 =	simm.s32 @p0 $0x1  }
0x13: {  	[smem:$0x3FB2] =	sst s0;
	s0 =	simm.s32 @!p1 $0x0  }
0x14: {  	s2 =	sld [smem:$0x3F96];
	s0 =	simm.s32 @p1 $0x1  }
0x15: {  	[smem:$0x3FB3] =	sst s0;
	s0 =	simm.s32 @!p2 $0x0  }
0x16: {  	s3 =	sld [smem:$0x3FDB];
	s0 =	simm.s32 @p2 $0x1  }
0x17: {  	s4 =	simm.s32 $0x1BF5;
	[smem:$0x3FB5] =	sst s0  }
0x18: {  	s0 =	sld [smem:$0x3F98];
	_ =	swait.ge [sflag:s4], $0x0  }
0x19: {  	s7 =	sld [smem:$0x3F99]  }
0x1a: {  	s8 =	sadd.s32 $0xFFFFE003, lr  }
0x1b: {  	s9 =	sadd.s32 $0xFFFFFEF7, lr;
	s5 =	simm.s32 $0xFFFFFFFF;
	p2 =	slt.u32 s8, $0xFFFFF086  }
0x1c: {  	p1 =	slt.u32 s9, $0xF7A;
	s5 =	simm.s32 @!p2 $0x0  }
0x1d: {  	s5 =	simm.s32 @p1 $0x1;
	p0 =	seq.s32 s7, s2  }
0x1e: {  	s7 =	smul.u32 @!p0 $0xF7A, s2;
	p2 =	seq.s32 @!p0 s5, $0x0  }
0x1f: {  	s9 =	smul.u32 $0xF7A, s1;
	s8 =	simm.s32 @!p0 $0x1BF5;
	p2 =	por !p2, p0  }
0x20: {  	[sflag:s8] =	ssyncset.s32 @!p0 $0xFFFFF086;
	s6 =	sadd.s32 @!p0 s3, s7;
	s7 =	simm.s32 @!p0 $0x108  }
0x21: {  	s3 =	sadd.s32 s3, s9;
	s6 =	sadd.s32 @!p0 $0x88, s6;
	s7 =	simm.s32 @p2 $0x1082  }
0x22: {  	[simem:s7], [sflag:s8] =	dma.local @!p0 [hbm:s6], $0xF7A  }
0x23: {  	s9 =	sor.u32 $0xD0000000, s2;
	s6 =	simm.s32 $0x108;
	_ =	swait.ge @!p0 [sflag:s8], $0x0  }
0x24: {  	s3 =	sadd.s32 $0x88, s3;
	s6 =	simm.s32 @!p1 $0x1082;
	[sflag:s4] =	ssyncset.s32 $0xFFFFF086  }
0x25: {  	[simem:s6], [sflag:s4] =	dma.local [hbm:s3], $0xF7A  }
0x26: {  	[smem:$0x3F99] =	sst s1;
	(tag) =	ssettag s2;
	_ =	strace s9  }
0x27: {  	s1 =	sld [smem:$0x3FA9]  }
0x28: {  	s2 =	sld [smem:$0x3FAA]  }
0x29: {  	s4 =	sld [smem:$0x3FAC]  }
0x2a: {  	p0 =	seq.s32 s5, $0x0;
	s5 =	sld [smem:$0x3FAD]  }
0x2b: {  	s6 =	sld [smem:$0x3FAE]  }
0x2c: {  	s7 =	sld [smem:$0x3FAF]  }
0x2d: {  	s3 =	simm.s32 $0x108;
	s8 =	sld [smem:$0x3FB0]  }
0x2e: {  	s3 =	simm.s32 @!p0 $0x1082;
	s9 =	sld [smem:$0x3FB1]  }
0x2f: {  	lr =	sadd.s32 s0, s3;
	s0 =	sld [smem:$0x3FA8]  }
0x30: {  	s3 =	sld [smem:$0x3FAB]  }
0x31: {  	[smem:$0x3FB4] =	sst s10  }
0x32: {  	s10 =	sld [smem:$0x3FB2];
	_ =	sdelay $0x3  }
0x33: {  	p0 =	seq.s32 s10, $0x1;
	s10 =	sld [smem:$0x3FB4];
	_ =	sdelay $0x3  }
0x34: {  	[smem:$0x3FB4] =	sst s10  }
0x35: {  	s10 =	sld [smem:$0x3FB3];
	_ =	sdelay $0x3  }
0x36: {  	p1 =	seq.s32 s10, $0x1;
	s10 =	sld [smem:$0x3FB4];
	_ =	sdelay $0x3  }
0x37: {  	[smem:$0x3FB4] =	sst s10  }
0x38: {  	s10 =	sld [smem:$0x3FB5]  }
0x39: {  	_ = 	snop;
	(pc) =	sbr.ind lr, $3  }
0x3a: {  	_ = 	snop  }
0x3b: {  	_ = 	snop  }
0x3c: {  	p2 =	seq.s32 s10, $0x1;
	s10 =	sld [smem:$0x3FB4]  }
0x3d: {  	_ =	shalt  }
0x3e: {  	_ =	shalt  }
0x3f: {  	_ =	shalt  }
0x40: {  	_ =	shalt  }
0x41: {  	_ =	shalt  }
0x42: {  	_ =	shalt  }
0x43: {  	_ =	shalt  }
0x44: {  	_ =	shalt  }
0x45: {  	_ =	shalt  }
0x46: {  	_ =	shalt  }
0x47: {  	_ =	shalt  }
0x48: {  	_ =	shalt  }
0x49: {  	_ =	shalt  }
0x4a: {  	_ =	shalt  }
0x4b: {  	_ =	shalt  }
0x4c: {  	_ =	shalt  }
0x4d: {  	_ =	shalt  }
0x4e: {  	_ =	shalt  }
0x4f: {  	_ =	shalt  }
0x50: {  	_ =	shalt  }
0x51: {  	_ =	shalt  }
0x52: {  	_ =	shalt  }
0x53: {  	_ =	shalt  }
0x54: {  	_ =	shalt  }
0x55: {  	_ =	shalt  }
0x56: {  	_ =	shalt  }
0x57: {  	_ =	shalt  }
0x58: {  	_ =	shalt  }
0x59: {  	_ =	shalt  }
0x5a: {  	_ =	shalt  }
0x5b: {  	_ =	shalt  }
0x5c: {  	_ =	shalt  }
0x5d: {  	_ =	shalt  }
0x5e: {  	_ =	shalt  }
0x5f: {  	_ =	shalt  }
0x60: {  	_ =	shalt  }
0x61: {  	_ =	shalt  }
0x62: {  	_ =	shalt  }
0x63: {  	_ =	shalt  }
0x64: {  	_ =	shalt  }
0x65: {  	_ =	shalt  }
0x66: {  	_ =	shalt  }
0x67: {  	_ =	shalt  }
0x68: {  	_ =	shalt  }
0x69: {  	_ =	shalt  }
0x6a: {  	_ =	shalt  }
0x6b: {  	_ =	shalt  }
0x6c: {  	_ =	shalt  }
0x6d: {  	_ =	shalt  }
0x6e: {  	_ =	shalt  }
0x6f: {  	_ =	shalt  }
0x70: {  	_ =	shalt  }
0x71: {  	_ =	shalt  }
0x72: {  	_ =	shalt  }
0x73: {  	_ =	shalt  }
0x74: {  	_ =	shalt  }
0x75: {  	_ =	shalt  }
0x76: {  	_ =	shalt  }
0x77: {  	_ =	shalt  }
0x78: {  	_ =	shalt  }
0x79: {  	_ =	shalt  }
0x7a: {  	_ =	shalt  }
0x7b: {  	_ =	shalt  }
0x7c: {  	_ =	shalt  }
0x7d: {  	_ =	shalt  }
0x7e: {  	_ =	shalt  }
0x7f: {  	_ =	shalt  }
0x80: {  	_ =	shalt  }
0x81: {  	_ =	shalt  }
0x82: {  	_ =	shalt  }
0x83: {  	_ =	shalt  }
0x84: {  	_ =	shalt  }
0x85: {  	_ =	shalt  }
0x86: {  	_ =	shalt  }
0x87: {  	_ =	shalt  }
.Lfunc_end0:
.L_simem_size_0:
called_computation.1_lowered:
.L_overlay_start_0:
0x88: {  	s2 =	sld [smem:$0x3FD9]  }
0x89: {  	s3 =	sld [smem:$0x3FFE];
	_ =	sdelay $0x1  }
0x8a: {  	s1 =	srdreg.scid  }
0x8b: {  	s0 =	sand.u32 $0x1, s1  }
0x8c: {  	s17 =	sshll.u32 s0, $0xA;
	s2 =	sadd.s32 s3, s2  }
0x8d: {  	s2 =	sadd.s32 s2, s17  }
0x8e: {  	[smem:$0x3FC0] =	sst s2  }
0x8f: {  	_ = 	snop  }
0x90: {  	s2 =	sld [smem:$0x3FD0];
	(tm) =	ssettm $0x1  }
0x91: {  	s18 =	sld [smem:$0x3FFB];
	_ =	sdelay $0x3  }
0x92: {  	_ =	strace s18  }
0x93: {  	s3 =	sld [smem:$0x3FFC];
	_ =	sdelay $0x3  }
0x94: {  	_ =	strace s3  }
0x95: {  	s3 =	sld [smem:$0x3FFD];
	_ =	sdelay $0x3  }
0x96: {  	_ =	strace s3  }
0x97: {  	_ =	strace $0x8FFFFFFF  }
0x98: {  	s19 =	sld [smem:$0x3FDB];
	_ =	sdelay $0x1  }
0x99: {  	s4 =	simm.s32 $_scs_section_size  }
0x9a: {  	s5 =	simm.s32 $_size__tile_overlayer_lowered;
	s6 =	simm.s32 $_tile_overlayer_lowered  }
0x9b: {  	s22 =	simm.s32 $0x1BFF;
	s21 =	sshll.u32 s6, $0x1;
	s3 =	sadd.s32 s4, s19  }
0x9c: {  	s7 =	simm.s32 $0x0;
	s20 =	sshll.u32 s5, $0x1;
	s5 =	sadd.s32 s21, s3  }
0x9d: {  	[timem:s7], [sflag:s22] =	dma.local [hbm:s5], s20  }
0x9e: {  	_ =	swait.ge [sflag:s22], s20  }
0x9f: {  	s4 =	ssub.s32 $0x0, s20;
	[sflag:s22] =	ssyncset.done $0x0  }
0xa0: {  	[sflag:s22] =	ssyncadd.s32 s4;
	_ =	sdelay $0x1  }
0xa1: {  	s23 =	simm.s32 $0x1B8B  }
0xa2: {  	_ =	swait.ge [sflag:s23], $0x1  }
0xa3: {  	[sflag:s23] =	ssyncset.done $0x0  }
0xa4: {  	s25 =	simm.s32 $0x1B8E;
	s24 =	sld [smem:$0x3FFE];
	[sflag:s23] =	ssyncadd.s32 $0xFFFFFFFF  }
0xa5: {  	s26 =	simm.s32 $execute0_lowered;
	[smem:$0x3FD2] =	sst s25  }
0xa6: {  	s5 =	sshll.u32 s26, $0x1;
	_ =	strace $0x80000049;
	[dreg:$0x1] =	wrdreg $0xFFFFFFFF  }
0xa7: {  	s28 =	simm.s32 $_size_execute0_lowered;
	s3 =	sadd.s32 s3, s5;
	[dreg:$0x0] =	wrdreg $0x0  }
0xa8: {  	s5 =	sshll.u32 s28, $0x1;
	[dreg:$0x2] =	wrdreg s3  }
0xa9: {  	[dreg:$0x3] =	wrdreg s5  }
0xaa: {  	[dreg:$0x4] =	wrdreg $0xC0  }
0xab: {  	_ =	task [dreg:s7], $0x5FFFF  }
0xac: {  	[dreg:$0x1] =	wrdreg $0xFFFFFFFF  }
0xad: {  	[dreg:$0x0] =	wrdreg $0x60  }
0xae: {  	[dreg:$0x2] =	wrdreg s2  }
0xaf: {  	[dreg:$0x3] =	wrdreg s24  }
0xb0: {  	[dreg:$0x4] =	wrdreg $0xC6200  }
0xb1: {  	[dreg:$0x5] =	wrdreg $0x9  }
0xb2: {  	_ =	task.clear_ibuf [dreg:s7], $0x6FFFF;
	_ =	strace $0x90000049  }
0xb3: {  	s29 =	simm.s32 $0x9;
	_ =	strace $0x8000004B  }
0xb4: {  	_ =	swait.ge [sflag:s29], $0x1  }
0xb5: {  	[sflag:s29] =	ssyncadd.s32 $0xFFFFFFFF  }
0xb6: {  	_ =	strace $0x9000004B  }
0xb7: {  	_ =	sfence  }
0xb8: {  	s30 =	sld [smem:$0x0];
	_ =	sdelay $0x2  }
0xb9: {  	s31 =	sshll.u32 s1, $0xD;
	s1 =	sshrl.u32 s1, $0x2  }
0xba: {  	s3 =	sand.u32 $0x4000, s31;
	s1 =	sadd.s32 s1, s30  }
0xbb: {  	s0 =	sor.u32 s3, s0;
	s1 =	sshll.u32 s1, $0x11  }
0xbc: {  	s0 =	sor.u32 s1, s0  }
0xbd: {  	s0 =	sadd.s32 $0x8F2B, s0  }
0xbe: {  	[sflag:s0] =	ssyncadd.remote.s32 $0x1  }
0xbf: {  	_ =	sfence.sel $0xFFFF  }
0xc0: {  	[dreg:$0x0] =	wrdreg $0xFFFFFFFF;
	(pc) =	sbr.abs _section_cstart, $3  }
0xc1: {  	[dreg:$0x1] =	wrdreg $0xFFFFFFFF  }
0xc2: {  	_ =	task.clear_ibuf [dreg:s7], $0x2FFFF;
	_ =	strace $0x9FFFFFFF  }
0xc3: {  	(tm) =	ssettm $0x7FFFFFFF  }
tec
execute0_lowered:
.L_overlay_start_1:
0x0: {  	(tag) =	ssettag $0x1  }
0x1: {  	s1 =	rddreg [dreg:$0x0]  }
0x2: {  	s0 =	srdreg.scid;
	s6 =	rddreg [dreg:$0x1]  }
0x3: {  	s3 =	rddreg [dreg:$0x2];
	s5 =	sand.u32 $0x1, s0  }
0x4: {  	s0 =	stileid.u32;
	s7 =	smul.u32 $0x27100, s5  }
0x5: {  	s2 =	rddreg [dreg:$0x3];
	s8 =	smul.u32 $0x2710, s0  }
0x6: {  	s4 =	simm.s32 $0x0;
	s14 =	simm.s32 $0x28;
	s9 =	smul.u32 $0x13880, s0  }
0x7: {  	s15 =	simm.s32 $0x0;
	[smem:$0x7FF] =	sst s4;
	s10 =	smul.u32 $0x138800, s5  }
0x8: {  	_ =	strace $0x8000004A;
	s31 =	ssub.s32 $0x2, s5;
	s12 =	sshll.u32 s0, $0x6  }
0x9: {  	s5 =	sadd.s32 $0x3200, s6;
	s11 =	sshrl.u32 s31, $0x1;
	s12 =	sor.u32 $0x1C02, s12  }
0xa: {  	s7 =	sadd.s32 s8, s7;
	s30 =	sadd.s32 s9, s10;
	s10 =	ssub.s32 s31, s11  }
0xb: {  	s13 =	sadd.s32 s9, s3;
	s11 =	simm.s32 $0x2710;
	s7 =	sshrl.u32 s7, $0x3  }
0xc: {  	s8 =	sshrl.u32 s30, $0x3;
	s9 =	smax.u32 s10, $0x1;
	s10 =	simm.s32 $0x2  }
0xd: {  	s13 =	sshrl.u32 s13, $0x3;
	s7 =	sadd.s32 s7, s6;
	s8 =	sadd.s32 s8, s6  }
0xe: {  	s6 =	sadd.s32 $0xD800, s7;
	s7 =	sadd.s32 $0x17440, s7;
	s8 =	sadd.s32 $0x21200, s8  }
.LBB2_1:
0xf: {  	[tilespmem:s4], [sflag:$0x2] =	stream.linear.gather [hbm4b:s6+s4], $0x2710, $0x38;
	[tilespmem:$0x1FEA0] =	vst v63  }
0x10: {  	_ =	swait.ge [sflag:s10], $0x2710  }
0x11: {  	[sflag:s10] =	ssyncset.done $0x0  }
0x12: {  	[sflag:s10] =	ssyncadd.s32 $0xFFFFD8F0  }
0x13: {  	[tilespmem:s11], [sflag:$0x2] =	stream.linear.gather [hbm4b:s7+s4], $0x2710, $0x38;
	[tilespmem:$0x1FEA0] =	vst v63  }
0x14: {  	_ =	swait.ge [sflag:s10], $0x2710  }
0x15: {  	[sflag:s10] =	ssyncset.done $0x0  }
0x16: {  	[sflag:s10] =	ssyncadd.s32 $0xFFFFD8F0  }
0x17: {  	[spmem:s13], [sflag:s12] =	dma.local [hbm:s5], $0x2710  }
0x18: {  	_ =	swait.ge [sflag:s10], $0x2710  }
0x19: {  	[sflag:s10] =	ssyncset.done $0x0  }
0x1a: {  	[sflag:s10] =	ssyncadd.s32 $0xFFFFD8F0  }
0x1b: {  	s16 =	simm.s32 $0x0;
	s17 =	simm.s32 $0x0;
	[bflag:$0x0] =	sbarrier.arrive $0xFFFF  }
.LBB2_2:
0x1c: {  	s18 =	smul.u32 $0xAB, s17;
	_ =	sdelay $0x1  }
0x1d: {  	s18 =	sshrl.u32 s18, $0xA  }
0x1e: {  	s18 =	sand.u32 $0x3F, s18  }
0x1f: {  	s18 =	smul.u32 $0x6, s18;
	_ =	sdelay $0x1  }
0x20: {  	s18 =	ssub.s32 s17, s18  }
0x21: {  	p0 =	slt.u32 s17, $0x6;
	s18 =	sand.u32 $0xFF, s18  }
0x22: {  	s19 =	simm.s32 @!p0 $0x1;
	s18 =	smul.u32 $0x5000, s18  }
0x23: {  	_ =	swait.ge @!p0 [sflag:s19], $0x1400  }
0x24: {  	s21 =	simm.s32 @!p0 $0x28;
	[sflag:s19] =	ssyncset.done @!p0 $0x0;
	s20 =	sshrl.u32 @!p0 s18, $0x2  }
0x25: {  	[sflag:s19] =	ssyncadd.s32 @!p0 $0xFFFFEC00;
	s19 =	sadd.s32 @!p0 $0x2620, s16;
	s20 =	sadd.s32 @!p0 $0x4E20, s20  }
0x26: {  	[spmem:s3] =	stream.indirect.scatter.add.f32 @!p0 [tilespmem:s20], [sflag:$0x2], $0x80, s19, s21, $0xb8;
	[tilespmem:$0x1FEA0] =	vst v63  }
0x27: {  	s19 =	simm.s32 @!p0 $0x2  }
0x28: {  	_ =	swait.ge @!p0 [sflag:s19], $0x1400  }
0x29: {  	p1 =	sgt.u32 @!p0 s17, $0xF9;
	s17 =	sadd.s32 $0x1, s17;
	[sflag:s19] =	ssyncset.done @!p0 $0x0  }
0x2a: {  	p1 =	por p0, !p1;
	[sflag:s19] =	ssyncadd.s32 @!p0 $0xFFFFEC00;
	p0 =	sne.s32 s17, $0x100  }
.Ltmp0:
0x2b: {  	_ = 	snop;
	(pc) =	sbr.rel @p0 .LBB2_2-.Ltmp0, $4  }
0x2c: {  	s18 =	sshrl.u32 @p1 s18, $0x2  }
0x2d: {  	s18 =	sadd.s32 @p1 $0x4E20, s18  }
0x2e: {  	[tilespmem:s18], [sflag:$0x1] =	stream.indirect.gather @p1 [hbm4b:s1+s14], $0x80, s16, s14, $0xb8;
	[tilespmem:$0x1FEA0] =	vst v63  }
0x2f: {  	s16 =	sadd.s32 $0x28, s16  }
0x30: {  	s15 =	sadd.s32 $0x1, s15  }
0x31: {  	p0 =	sne.s32 s15, s9  }
.Ltmp1:
0x32: {  	[bflag:$0x0] =	sbarrier.arrive $0xFFFF;
	(pc) =	sbr.rel @p0 .LBB2_1-.Ltmp1, $4  }
0x33: {  	[hbm:s8], [sflag:s12] =	dma.local [spmem:s13], $0x2710  }
0x34: {  	_ =	swait.ge [sflag:s10], $0x2710  }
0x35: {  	[sflag:s10] =	ssyncset.done $0x0  }
0x36: {  	[sflag:s10] =	ssyncadd.s32 $0xFFFFD8F0  }
0x37: {  	_ =	sfence.sel $0x180000  }
0x38: {  	[bflag:$0x0] =	sbarrier.arrive $0xFFFF  }
0x39: {  	p0 =	sne.s32 s0, $0x0;
	_ =	strace $0x9000004A  }
0x3a: {  	s0 =	sadd.s32 @!p0 $0x100000, s2;
	[bflag:$0x2] =	sbarrier.arrive $0xFFFF  }
0x3b: {  	[sflag:s0] =	ssyncadd.tile.s32 @!p0 $0x1;
	_ =	shalt  }
.Lfunc_end2:
_tile_overlayer_lowered:
.L_overlay_start_2:
0x3c: {  	(tag) =	ssettag $0x2  }
0x3d: {  	s0 =	rddreg [dreg:$0x0];
	s2 =	stileid.u32  }
0x3e: {  	s1 =	rddreg [dreg:$0x1];
	p0 =	sne.s32 s2, $0x0  }
0x3f: {  	s3 =	rddreg [dreg:$0x2];
	[bflag:$0x3] =	sbarrier.arrive $0xFFFF;
	s2 =	simm.s32 @!p0 $0x1C02  }
0x40: {  	[timem:s3], [sflag:s2] =	dma.local @!p0 [hbm:s0], s1  }
0x41: {  	s0 =	simm.s32 @!p0 $0x2  }
0x42: {  	_ =	swait.ge @!p0 [sflag:s0], s1  }
0x43: {  	s1 =	ssub.s32 @!p0 $0x0, s1;
	[sflag:s0] =	ssyncset.done @!p0 $0x0  }
0x44: {  	[sflag:s0] =	ssyncadd.s32 @!p0 s1  }
0x45: {  	[bflag:$0x3] =	sbarrier.arrive $0xFFFF  }
0x46: {  	_ =	shalt  }

// kernel: kernel.16.cloned.1.call-start
scs
__scs_entry_jumppad:
0x0: {  	(pc) =	sbr.rel $0x88, $3  }
0x1: {  	(tag) =	ssettag $0x0;
	lr =	simm.s32 $0x1  }
0x2: {  	[smem:$0x3F99] =	sst lr;
	_ =	strace $0xD0000000  }
0x3: {  	_ = 	snop  }
0x4: {  	_ = 	snop  }
0x5: {  	_ = 	snop  }
0x6: {  	_ = 	snop  }
0x7: {  	_ = 	snop  }
__scs_overlays_trampoline_lowered:
0x8: {  	[smem:$0x3FA8] =	sst s0  }
0x9: {  	[smem:$0x3FA9] =	sst s1  }
0xa: {  	[smem:$0x3FAA] =	sst s2  }
0xb: {  	[smem:$0x3FAB] =	sst s3  }
0xc: {  	[smem:$0x3FAC] =	sst s4  }
0xd: {  	[smem:$0x3FAD] =	sst s5  }
0xe: {  	[smem:$0x3FAE] =	sst s6  }
0xf: {  	[smem:$0x3FAF] =	sst s7  }
0x10: {  	[smem:$0x3FB0] =	sst s8  }
0x11: {  	[smem:$0x3FB1] =	sst s9;
	s0 =	simm.s32 @!p0 $0x0  }
0x12: {  	s1 =	sld [smem:$0x3F97];
	s0 =	simm.s32 @p0 $0x1  }
0x13: {  	[smem:$0x3FB2] =	sst s0;
	s0 =	simm.s32 @!p1 $0x0  }
0x14: {  	s2 =	sld [smem:$0x3F96];
	s0 =	simm.s32 @p1 $0x1  }
0x15: {  	[smem:$0x3FB3] =	sst s0;
	s0 =	simm.s32 @!p2 $0x0  }
0x16: {  	s3 =	sld [smem:$0x3FDB];
	s0 =	simm.s32 @p2 $0x1  }
0x17: {  	s4 =	simm.s32 $0x1BF5;
	[smem:$0x3FB5] =	sst s0  }
0x18: {  	s0 =	sld [smem:$0x3F98];
	_ =	swait.ge [sflag:s4], $0x0  }
0x19: {  	s7 =	sld [smem:$0x3F99]  }
0x1a: {  	s8 =	sadd.s32 $0xFFFFE003, lr  }
0x1b: {  	s9 =	sadd.s32 $0xFFFFFEF7, lr;
	s5 =	simm.s32 $0xFFFFFFFF;
	p2 =	slt.u32 s8, $0xFFFFF086  }
0x1c: {  	p1 =	slt.u32 s9, $0xF7A;
	s5 =	simm.s32 @!p2 $0x0  }
0x1d: {  	s5 =	simm.s32 @p1 $0x1;
	p0 =	seq.s32 s7, s2  }
0x1e: {  	s7 =	smul.u32 @!p0 $0xF7A, s2;
	p2 =	seq.s32 @!p0 s5, $0x0  }
0x1f: {  	s9 =	smul.u32 $0xF7A, s1;
	s8 =	simm.s32 @!p0 $0x1BF5;
	p2 =	por !p2, p0  }
0x20: {  	[sflag:s8] =	ssyncset.s32 @!p0 $0xFFFFF086;
	s6 =	sadd.s32 @!p0 s3, s7;
	s7 =	simm.s32 @!p0 $0x108  }
0x21: {  	s3 =	sadd.s32 s3, s9;
	s6 =	sadd.s32 @!p0 $0x88, s6;
	s7 =	simm.s32 @p2 $0x1082  }
0x22: {  	[simem:s7], [sflag:s8] =	dma.local @!p0 [hbm:s6], $0xF7A  }
0x23: {  	s9 =	sor.u32 $0xD0000000, s2;
	s6 =	simm.s32 $0x108;
	_ =	swait.ge @!p0 [sflag:s8], $0x0  }
0x24: {  	s3 =	sadd.s32 $0x88, s3;
	s6 =	simm.s32 @!p1 $0x1082;
	[sflag:s4] =	ssyncset.s32 $0xFFFFF086  }
0x25: {  	[simem:s6], [sflag:s4] =	dma.local [hbm:s3], $0xF7A  }
0x26: {  	[smem:$0x3F99] =	sst s1;
	(tag) =	ssettag s2;
	_ =	strace s9  }
0x27: {  	s1 =	sld [smem:$0x3FA9]  }
0x28: {  	s2 =	sld [smem:$0x3FAA]  }
0x29: {  	s4 =	sld [smem:$0x3FAC]  }
0x2a: {  	p0 =	seq.s32 s5, $0x0;
	s5 =	sld [smem:$0x3FAD]  }
0x2b: {  	s6 =	sld [smem:$0x3FAE]  }
0x2c: {  	s7 =	sld [smem:$0x3FAF]  }
0x2d: {  	s3 =	simm.s32 $0x108;
	s8 =	sld [smem:$0x3FB0]  }
0x2e: {  	s3 =	simm.s32 @!p0 $0x1082;
	s9 =	sld [smem:$0x3FB1]  }
0x2f: {  	lr =	sadd.s32 s0, s3;
	s0 =	sld [smem:$0x3FA8]  }
0x30: {  	s3 =	sld [smem:$0x3FAB]  }
0x31: {  	[smem:$0x3FB4] =	sst s10  }
0x32: {  	s10 =	sld [smem:$0x3FB2];
	_ =	sdelay $0x3  }
0x33: {  	p0 =	seq.s32 s10, $0x1;
	s10 =	sld [smem:$0x3FB4];
	_ =	sdelay $0x3  }
0x34: {  	[smem:$0x3FB4] =	sst s10  }
0x35: {  	s10 =	sld [smem:$0x3FB3];
	_ =	sdelay $0x3  }
0x36: {  	p1 =	seq.s32 s10, $0x1;
	s10 =	sld [smem:$0x3FB4];
	_ =	sdelay $0x3  }
0x37: {  	[smem:$0x3FB4] =	sst s10  }
0x38: {  	s10 =	sld [smem:$0x3FB5]  }
0x39: {  	_ = 	snop;
	(pc) =	sbr.ind lr, $3  }
0x3a: {  	_ = 	snop  }
0x3b: {  	_ = 	snop  }
0x3c: {  	p2 =	seq.s32 s10, $0x1;
	s10 =	sld [smem:$0x3FB4]  }
0x3d: {  	_ =	shalt  }
0x3e: {  	_ =	shalt  }
0x3f: {  	_ =	shalt  }
0x40: {  	_ =	shalt  }
0x41: {  	_ =	shalt  }
0x42: {  	_ =	shalt  }
0x43: {  	_ =	shalt  }
0x44: {  	_ =	shalt  }
0x45: {  	_ =	shalt  }
0x46: {  	_ =	shalt  }
0x47: {  	_ =	shalt  }
0x48: {  	_ =	shalt  }
0x49: {  	_ =	shalt  }
0x4a: {  	_ =	shalt  }
0x4b: {  	_ =	shalt  }
0x4c: {  	_ =	shalt  }
0x4d: {  	_ =	shalt  }
0x4e: {  	_ =	shalt  }
0x4f: {  	_ =	shalt  }
0x50: {  	_ =	shalt  }
0x51: {  	_ =	shalt  }
0x52: {  	_ =	shalt  }
0x53: {  	_ =	shalt  }
0x54: {  	_ =	shalt  }
0x55: {  	_ =	shalt  }
0x56: {  	_ =	shalt  }
0x57: {  	_ =	shalt  }
0x58: {  	_ =	shalt  }
0x59: {  	_ =	shalt  }
0x5a: {  	_ =	shalt  }
0x5b: {  	_ =	shalt  }
0x5c: {  	_ =	shalt  }
0x5d: {  	_ =	shalt  }
0x5e: {  	_ =	shalt  }
0x5f: {  	_ =	shalt  }
0x60: {  	_ =	shalt  }
0x61: {  	_ =	shalt  }
0x62: {  	_ =	shalt  }
0x63: {  	_ =	shalt  }
0x64: {  	_ =	shalt  }
0x65: {  	_ =	shalt  }
0x66: {  	_ =	shalt  }
0x67: {  	_ =	shalt  }
0x68: {  	_ =	shalt  }
0x69: {  	_ =	shalt  }
0x6a: {  	_ =	shalt  }
0x6b: {  	_ =	shalt  }
0x6c: {  	_ =	shalt  }
0x6d: {  	_ =	shalt  }
0x6e: {  	_ =	shalt  }
0x6f: {  	_ =	shalt  }
0x70: {  	_ =	shalt  }
0x71: {  	_ =	shalt  }
0x72: {  	_ =	shalt  }
0x73: {  	_ =	shalt  }
0x74: {  	_ =	shalt  }
0x75: {  	_ =	shalt  }
0x76: {  	_ =	shalt  }
0x77: {  	_ =	shalt  }
0x78: {  	_ =	shalt  }
0x79: {  	_ =	shalt  }
0x7a: {  	_ =	shalt  }
0x7b: {  	_ =	shalt  }
0x7c: {  	_ =	shalt  }
0x7d: {  	_ =	shalt  }
0x7e: {  	_ =	shalt  }
0x7f: {  	_ =	shalt  }
0x80: {  	_ =	shalt  }
0x81: {  	_ =	shalt  }
0x82: {  	_ =	shalt  }
0x83: {  	_ =	shalt  }
0x84: {  	_ =	shalt  }
0x85: {  	_ =	shalt  }
0x86: {  	_ =	shalt  }
0x87: {  	_ =	shalt  }
.Lfunc_end0:
.L_simem_size_0:
called_computation.2_lowered:
.L_overlay_start_0:
0x88: {  	s2 =	sld [smem:$0x3FD9]  }
0x89: {  	s3 =	sld [smem:$0x3FFE];
	_ =	sdelay $0x1  }
0x8a: {  	s1 =	srdreg.scid  }
0x8b: {  	s0 =	sand.u32 $0x1, s1  }
0x8c: {  	s17 =	sshll.u32 s0, $0xA;
	s2 =	sadd.s32 s3, s2  }
0x8d: {  	s2 =	sadd.s32 s2, s17  }
0x8e: {  	[smem:$0x3FC0] =	sst s2  }
0x8f: {  	_ = 	snop  }
0x90: {  	s2 =	sld [smem:$0x3FD0];
	(tm) =	ssettm $0x1  }
0x91: {  	s18 =	sld [smem:$0x3FFB];
	_ =	sdelay $0x3  }
0x92: {  	_ =	strace s18  }
0x93: {  	s3 =	sld [smem:$0x3FFC];
	_ =	sdelay $0x3  }
0x94: {  	_ =	strace s3  }
0x95: {  	s3 =	sld [smem:$0x3FFD];
	_ =	sdelay $0x3  }
0x96: {  	_ =	strace s3  }
0x97: {  	_ =	strace $0x8FFFFFFF  }
0x98: {  	s19 =	sld [smem:$0x3FDB];
	_ =	sdelay $0x1  }
0x99: {  	s4 =	simm.s32 $_scs_section_size  }
0x9a: {  	s5 =	simm.s32 $_size__tile_overlayer_lowered;
	s6 =	simm.s32 $_tile_overlayer_lowered  }
0x9b: {  	s22 =	simm.s32 $0x1BFF;
	s21 =	sshll.u32 s6, $0x1;
	s3 =	sadd.s32 s4, s19  }
0x9c: {  	s7 =	simm.s32 $0x0;
	s20 =	sshll.u32 s5, $0x1;
	s5 =	sadd.s32 s21, s3  }
0x9d: {  	[timem:s7], [sflag:s22] =	dma.local [hbm:s5], s20  }
0x9e: {  	_ =	swait.ge [sflag:s22], s20  }
0x9f: {  	s4 =	ssub.s32 $0x0, s20;
	[sflag:s22] =	ssyncset.done $0x0  }
0xa0: {  	[sflag:s22] =	ssyncadd.s32 s4;
	_ =	sdelay $0x1  }
0xa1: {  	s23 =	simm.s32 $0x1B8B  }
0xa2: {  	_ =	swait.ge [sflag:s23], $0x1  }
0xa3: {  	[sflag:s23] =	ssyncset.done $0x0  }
0xa4: {  	s25 =	simm.s32 $0x1B8E;
	s24 =	sld [smem:$0x3FFE];
	[sflag:s23] =	ssyncadd.s32 $0xFFFFFFFF  }
0xa5: {  	s26 =	simm.s32 $execute0_lowered;
	[smem:$0x3FD2] =	sst s25  }
0xa6: {  	s5 =	sshll.u32 s26, $0x1;
	_ =	strace $0x8000004C;
	[dreg:$0x1] =	wrdreg $0xFFFFFFFF  }
0xa7: {  	s28 =	simm.s32 $_size_execute0_lowered;
	s3 =	sadd.s32 s3, s5;
	[dreg:$0x0] =	wrdreg $0x0  }
0xa8: {  	s5 =	sshll.u32 s28, $0x1;
	[dreg:$0x2] =	wrdreg s3  }
0xa9: {  	[dreg:$0x3] =	wrdreg s5  }
0xaa: {  	[dreg:$0x4] =	wrdreg $0xC0  }
0xab: {  	_ =	task [dreg:s7], $0x5FFFF  }
0xac: {  	[dreg:$0x1] =	wrdreg $0xFFFFFFFF  }
0xad: {  	[dreg:$0x0] =	wrdreg $0x60  }
0xae: {  	[dreg:$0x2] =	wrdreg s2  }
0xaf: {  	[dreg:$0x3] =	wrdreg s24  }
0xb0: {  	[dreg:$0x4] =	wrdreg $0xC6200  }
0xb1: {  	[dreg:$0x5] =	wrdreg $0x9  }
0xb2: {  	_ =	task.clear_ibuf [dreg:s7], $0x6FFFF;
	_ =	strace $0x9000004C  }
0xb3: {  	s29 =	simm.s32 $0x9;
	_ =	strace $0x8000004E  }
0xb4: {  	_ =	swait.ge [sflag:s29], $0x1  }
0xb5: {  	[sflag:s29] =	ssyncadd.s32 $0xFFFFFFFF  }
0xb6: {  	_ =	strace $0x9000004E  }
0xb7: {  	_ =	sfence  }
0xb8: {  	s30 =	sld [smem:$0x0];
	_ =	sdelay $0x2  }
0xb9: {  	s31 =	sshll.u32 s1, $0xD;
	s1 =	sshrl.u32 s1, $0x2  }
0xba: {  	s3 =	sand.u32 $0x4000, s31;
	s1 =	sadd.s32 s1, s30  }
0xbb: {  	s0 =	sor.u32 s3, s0;
	s1 =	sshll.u32 s1, $0x11  }
0xbc: {  	s0 =	sor.u32 s1, s0  }
0xbd: {  	s0 =	sadd.s32 $0x8F2B, s0  }
0xbe: {  	[sflag:s0] =	ssyncadd.remote.s32 $0x1  }
0xbf: {  	_ =	sfence.sel $0xFFFF  }
0xc0: {  	[dreg:$0x0] =	wrdreg $0xFFFFFFFF;
	(pc) =	sbr.abs _section_cstart, $3  }
0xc1: {  	[dreg:$0x1] =	wrdreg $0xFFFFFFFF  }
0xc2: {  	_ =	task.clear_ibuf [dreg:s7], $0x2FFFF;
	_ =	strace $0x9FFFFFFF  }
0xc3: {  	(tm) =	ssettm $0x7FFFFFFF  }
tec
execute0_lowered:
.L_overlay_start_1:
0x0: {  	(tag) =	ssettag $0x1  }
0x1: {  	s1 =	rddreg [dreg:$0x0]  }
0x2: {  	s0 =	srdreg.scid;
	s6 =	rddreg [dreg:$0x1]  }
0x3: {  	s3 =	rddreg [dreg:$0x2];
	s5 =	sand.u32 $0x1, s0  }
0x4: {  	s0 =	stileid.u32;
	s7 =	smul.u32 $0x27100, s5  }
0x5: {  	s2 =	rddreg [dreg:$0x3];
	s8 =	smul.u32 $0x2710, s0  }
0x6: {  	s4 =	simm.s32 $0x0;
	s14 =	simm.s32 $0x28;
	s9 =	smul.u32 $0x13880, s0  }
0x7: {  	s15 =	simm.s32 $0x0;
	[smem:$0x7FF] =	sst s4;
	s10 =	smul.u32 $0x138800, s5  }
0x8: {  	_ =	strace $0x8000004D;
	s31 =	ssub.s32 $0x2, s5;
	s12 =	sshll.u32 s0, $0x6  }
0x9: {  	s5 =	sadd.s32 $0x3200, s6;
	s11 =	sshrl.u32 s31, $0x1;
	s12 =	sor.u32 $0x1C02, s12  }
0xa: {  	s7 =	sadd.s32 s8, s7;
	s30 =	sadd.s32 s9, s10;
	s10 =	ssub.s32 s31, s11  }
0xb: {  	s13 =	sadd.s32 s9, s3;
	s11 =	simm.s32 $0x2710;
	s7 =	sshrl.u32 s7, $0x3  }
0xc: {  	s8 =	sshrl.u32 s30, $0x3;
	s9 =	smax.u32 s10, $0x1;
	s10 =	simm.s32 $0x2  }
0xd: {  	s13 =	sshrl.u32 s13, $0x3;
	s7 =	sadd.s32 s7, s6;
	s8 =	sadd.s32 s8, s6  }
0xe: {  	s6 =	sadd.s32 $0xD800, s7;
	s7 =	sadd.s32 $0x17440, s7;
	s8 =	sadd.s32 $0x21200, s8  }
.LBB2_1:
0xf: {  	[tilespmem:s4], [sflag:$0x2] =	stream.linear.gather [hbm4b:s6+s4], $0x2710, $0x38;
	[tilespmem:$0x1FEA0] =	vst v63  }
0x10: {  	_ =	swait.ge [sflag:s10], $0x2710  }
0x11: {  	[sflag:s10] =	ssyncset.done $0x0  }
0x12: {  	[sflag:s10] =	ssyncadd.s32 $0xFFFFD8F0  }
0x13: {  	[tilespmem:s11], [sflag:$0x2] =	stream.linear.gather [hbm4b:s7+s4], $0x2710, $0x38;
	[tilespmem:$0x1FEA0] =	vst v63  }
0x14: {  	_ =	swait.ge [sflag:s10], $0x2710  }
0x15: {  	[sflag:s10] =	ssyncset.done $0x0  }
0x16: {  	[sflag:s10] =	ssyncadd.s32 $0xFFFFD8F0  }
0x17: {  	[spmem:s13], [sflag:s12] =	dma.local [hbm:s5], $0x2710  }
0x18: {  	_ =	swait.ge [sflag:s10], $0x2710  }
0x19: {  	[sflag:s10] =	ssyncset.done $0x0  }
0x1a: {  	[sflag:s10] =	ssyncadd.s32 $0xFFFFD8F0  }
0x1b: {  	s16 =	simm.s32 $0x0;
	s17 =	simm.s32 $0x0;
	[bflag:$0x0] =	sbarrier.arrive $0xFFFF  }
.LBB2_2:
0x1c: {  	s18 =	smul.u32 $0xAB, s17;
	_ =	sdelay $0x1  }
0x1d: {  	s18 =	sshrl.u32 s18, $0xA  }
0x1e: {  	s18 =	sand.u32 $0x3F, s18  }
0x1f: {  	s18 =	smul.u32 $0x6, s18;
	_ =	sdelay $0x1  }
0x20: {  	s18 =	ssub.s32 s17, s18  }
0x21: {  	p0 =	slt.u32 s17, $0x6;
	s18 =	sand.u32 $0xFF, s18  }
0x22: {  	s19 =	simm.s32 @!p0 $0x1;
	s18 =	smul.u32 $0x5000, s18  }
0x23: {  	_ =	swait.ge @!p0 [sflag:s19], $0x1400  }
0x24: {  	s21 =	simm.s32 @!p0 $0x28;
	[sflag:s19] =	ssyncset.done @!p0 $0x0;
	s20 =	sshrl.u32 @!p0 s18, $0x2  }
0x25: {  	[sflag:s19] =	ssyncadd.s32 @!p0 $0xFFFFEC00;
	s19 =	sadd.s32 @!p0 $0x2620, s16;
	s20 =	sadd.s32 @!p0 $0x4E20, s20  }
0x26: {  	[spmem:s3] =	stream.indirect.scatter.add.f32 @!p0 [tilespmem:s20], [sflag:$0x2], $0x80, s19, s21, $0xb8;
	[tilespmem:$0x1FEA0] =	vst v63  }
0x27: {  	s19 =	simm.s32 @!p0 $0x2  }
0x28: {  	_ =	swait.ge @!p0 [sflag:s19], $0x1400  }
0x29: {  	p1 =	sgt.u32 @!p0 s17, $0xF9;
	s17 =	sadd.s32 $0x1, s17;
	[sflag:s19] =	ssyncset.done @!p0 $0x0  }
0x2a: {  	p1 =	por p0, !p1;
	[sflag:s19] =	ssyncadd.s32 @!p0 $0xFFFFEC00;
	p0 =	sne.s32 s17, $0x100  }
.Ltmp0:
0x2b: {  	_ = 	snop;
	(pc) =	sbr.rel @p0 .LBB2_2-.Ltmp0, $4  }
0x2c: {  	s18 =	sshrl.u32 @p1 s18, $0x2  }
0x2d: {  	s18 =	sadd.s32 @p1 $0x4E20, s18  }
0x2e: {  	[tilespmem:s18], [sflag:$0x1] =	stream.indirect.gather @p1 [hbm4b:s1+s14], $0x80, s16, s14, $0xb8;
	[tilespmem:$0x1FEA0] =	vst v63  }
0x2f: {  	s16 =	sadd.s32 $0x28, s16  }
0x30: {  	s15 =	sadd.s32 $0x1, s15  }
0x31: {  	p0 =	sne.s32 s15, s9  }
.Ltmp1:
0x32: {  	[bflag:$0x0] =	sbarrier.arrive $0xFFFF;
	(pc) =	sbr.rel @p0 .LBB2_1-.Ltmp1, $4  }
0x33: {  	[hbm:s8], [sflag:s12] =	dma.local [spmem:s13], $0x2710  }
0x34: {  	_ =	swait.ge [sflag:s10], $0x2710  }
0x35: {  	[sflag:s10] =	ssyncset.done $0x0  }
0x36: {  	[sflag:s10] =	ssyncadd.s32 $0xFFFFD8F0  }
0x37: {  	_ =	sfence.sel $0x180000  }
0x38: {  	[bflag:$0x0] =	sbarrier.arrive $0xFFFF  }
0x39: {  	p0 =	sne.s32 s0, $0x0;
	_ =	strace $0x9000004D  }
0x3a: {  	s0 =	sadd.s32 @!p0 $0x100000, s2;
	[bflag:$0x2] =	sbarrier.arrive $0xFFFF  }
0x3b: {  	[sflag:s0] =	ssyncadd.tile.s32 @!p0 $0x1;
	_ =	shalt  }
.Lfunc_end2:
_tile_overlayer_lowered:
.L_overlay_start_2:
0x3c: {  	(tag) =	ssettag $0x2  }
0x3d: {  	s0 =	rddreg [dreg:$0x0];
	s2 =	stileid.u32  }
0x3e: {  	s1 =	rddreg [dreg:$0x1];
	p0 =	sne.s32 s2, $0x0  }
0x3f: {  	s3 =	rddreg [dreg:$0x2];
	[bflag:$0x3] =	sbarrier.arrive $0xFFFF;
	s2 =	simm.s32 @!p0 $0x1C02  }
0x40: {  	[timem:s3], [sflag:s2] =	dma.local @!p0 [hbm:s0], s1  }
0x41: {  	s0 =	simm.s32 @!p0 $0x2  }
0x42: {  	_ =	swait.ge @!p0 [sflag:s0], s1  }
0x43: {  	s1 =	ssub.s32 @!p0 $0x0, s1;
	[sflag:s0] =	ssyncset.done @!p0 $0x0  }
0x44: {  	[sflag:s0] =	ssyncadd.s32 @!p0 s1  }
0x45: {  	[bflag:$0x3] =	sbarrier.arrive $0xFFFF  }
0x46: {  	_ =	shalt  }

// kernel: kernel.19.cloned.1.call-start
scs
__scs_entry_jumppad:
0x0: {  	(pc) =	sbr.rel $0x88, $3  }
0x1: {  	(tag) =	ssettag $0x0;
	lr =	simm.s32 $0x1  }
0x2: {  	[smem:$0x3F99] =	sst lr;
	_ =	strace $0xD0000000  }
0x3: {  	_ = 	snop  }
0x4: {  	_ = 	snop  }
0x5: {  	_ = 	snop  }
0x6: {  	_ = 	snop  }
0x7: {  	_ = 	snop  }
__scs_overlays_trampoline_lowered:
0x8: {  	[smem:$0x3FA8] =	sst s0  }
0x9: {  	[smem:$0x3FA9] =	sst s1  }
0xa: {  	[smem:$0x3FAA] =	sst s2  }
0xb: {  	[smem:$0x3FAB] =	sst s3  }
0xc: {  	[smem:$0x3FAC] =	sst s4  }
0xd: {  	[smem:$0x3FAD] =	sst s5  }
0xe: {  	[smem:$0x3FAE] =	sst s6  }
0xf: {  	[smem:$0x3FAF] =	sst s7  }
0x10: {  	[smem:$0x3FB0] =	sst s8  }
0x11: {  	[smem:$0x3FB1] =	sst s9;
	s0 =	simm.s32 @!p0 $0x0  }
0x12: {  	s1 =	sld [smem:$0x3F97];
	s0 =	simm.s32 @p0 $0x1  }
0x13: {  	[smem:$0x3FB2] =	sst s0;
	s0 =	simm.s32 @!p1 $0x0  }
0x14: {  	s2 =	sld [smem:$0x3F96];
	s0 =	simm.s32 @p1 $0x1  }
0x15: {  	[smem:$0x3FB3] =	sst s0;
	s0 =	simm.s32 @!p2 $0x0  }
0x16: {  	s3 =	sld [smem:$0x3FDB];
	s0 =	simm.s32 @p2 $0x1  }
0x17: {  	s4 =	simm.s32 $0x1BF5;
	[smem:$0x3FB5] =	sst s0  }
0x18: {  	s0 =	sld [smem:$0x3F98];
	_ =	swait.ge [sflag:s4], $0x0  }
0x19: {  	s7 =	sld [smem:$0x3F99]  }
0x1a: {  	s8 =	sadd.s32 $0xFFFFE003, lr  }
0x1b: {  	s9 =	sadd.s32 $0xFFFFFEF7, lr;
	s5 =	simm.s32 $0xFFFFFFFF;
	p2 =	slt.u32 s8, $0xFFFFF086  }
0x1c: {  	p1 =	slt.u32 s9, $0xF7A;
	s5 =	simm.s32 @!p2 $0x0  }
0x1d: {  	s5 =	simm.s32 @p1 $0x1;
	p0 =	seq.s32 s7, s2  }
0x1e: {  	s7 =	smul.u32 @!p0 $0xF7A, s2;
	p2 =	seq.s32 @!p0 s5, $0x0  }
0x1f: {  	s9 =	smul.u32 $0xF7A, s1;
	s8 =	simm.s32 @!p0 $0x1BF5;
	p2 =	por !p2, p0  }
0x20: {  	[sflag:s8] =	ssyncset.s32 @!p0 $0xFFFFF086;
	s6 =	sadd.s32 @!p0 s3, s7;
	s7 =	simm.s32 @!p0 $0x108  }
0x21: {  	s3 =	sadd.s32 s3, s9;
	s6 =	sadd.s32 @!p0 $0x88, s6;
	s7 =	simm.s32 @p2 $0x1082  }
0x22: {  	[simem:s7], [sflag:s8] =	dma.local @!p0 [hbm:s6], $0xF7A  }
0x23: {  	s9 =	sor.u32 $0xD0000000, s2;
	s6 =	simm.s32 $0x108;
	_ =	swait.ge @!p0 [sflag:s8], $0x0  }
0x24: {  	s3 =	sadd.s32 $0x88, s3;
	s6 =	simm.s32 @!p1 $0x1082;
	[sflag:s4] =	ssyncset.s32 $0xFFFFF086  }
0x25: {  	[simem:s6], [sflag:s4] =	dma.local [hbm:s3], $0xF7A  }
0x26: {  	[smem:$0x3F99] =	sst s1;
	(tag) =	ssettag s2;
	_ =	strace s9  }
0x27: {  	s1 =	sld [smem:$0x3FA9]  }
0x28: {  	s2 =	sld [smem:$0x3FAA]  }
0x29: {  	s4 =	sld [smem:$0x3FAC]  }
0x2a: {  	p0 =	seq.s32 s5, $0x0;
	s5 =	sld [smem:$0x3FAD]  }
0x2b: {  	s6 =	sld [smem:$0x3FAE]  }
0x2c: {  	s7 =	sld [smem:$0x3FAF]  }
0x2d: {  	s3 =	simm.s32 $0x108;
	s8 =	sld [smem:$0x3FB0]  }
0x2e: {  	s3 =	simm.s32 @!p0 $0x1082;
	s9 =	sld [smem:$0x3FB1]  }
0x2f: {  	lr =	sadd.s32 s0, s3;
	s0 =	sld [smem:$0x3FA8]  }
0x30: {  	s3 =	sld [smem:$0x3FAB]  }
0x31: {  	[smem:$0x3FB4] =	sst s10  }
0x32: {  	s10 =	sld [smem:$0x3FB2];
	_ =	sdelay $0x3  }
0x33: {  	p0 =	seq.s32 s10, $0x1;
	s10 =	sld [smem:$0x3FB4];
	_ =	sdelay $0x3  }
0x34: {  	[smem:$0x3FB4] =	sst s10  }
0x35: {  	s10 =	sld [smem:$0x3FB3];
	_ =	sdelay $0x3  }
0x36: {  	p1 =	seq.s32 s10, $0x1;
	s10 =	sld [smem:$0x3FB4];
	_ =	sdelay $0x3  }
0x37: {  	[smem:$0x3FB4] =	sst s10  }
0x38: {  	s10 =	sld [smem:$0x3FB5]  }
0x39: {  	_ = 	snop;
	(pc) =	sbr.ind lr, $3  }
0x3a: {  	_ = 	snop  }
0x3b: {  	_ = 	snop  }
0x3c: {  	p2 =	seq.s32 s10, $0x1;
	s10 =	sld [smem:$0x3FB4]  }
0x3d: {  	_ =	shalt  }
0x3e: {  	_ =	shalt  }
0x3f: {  	_ =	shalt  }
0x40: {  	_ =	shalt  }
0x41: {  	_ =	shalt  }
0x42: {  	_ =	shalt  }
0x43: {  	_ =	shalt  }
0x44: {  	_ =	shalt  }
0x45: {  	_ =	shalt  }
0x46: {  	_ =	shalt  }
0x47: {  	_ =	shalt  }
0x48: {  	_ =	shalt  }
0x49: {  	_ =	shalt  }
0x4a: {  	_ =	shalt  }
0x4b: {  	_ =	shalt  }
0x4c: {  	_ =	shalt  }
0x4d: {  	_ =	shalt  }
0x4e: {  	_ =	shalt  }
0x4f: {  	_ =	shalt  }
0x50: {  	_ =	shalt  }
0x51: {  	_ =	shalt  }
0x52: {  	_ =	shalt  }
0x53: {  	_ =	shalt  }
0x54: {  	_ =	shalt  }
0x55: {  	_ =	shalt  }
0x56: {  	_ =	shalt  }
0x57: {  	_ =	shalt  }
0x58: {  	_ =	shalt  }
0x59: {  	_ =	shalt  }
0x5a: {  	_ =	shalt  }
0x5b: {  	_ =	shalt  }
0x5c: {  	_ =	shalt  }
0x5d: {  	_ =	shalt  }
0x5e: {  	_ =	shalt  }
0x5f: {  	_ =	shalt  }
0x60: {  	_ =	shalt  }
0x61: {  	_ =	shalt  }
0x62: {  	_ =	shalt  }
0x63: {  	_ =	shalt  }
0x64: {  	_ =	shalt  }
0x65: {  	_ =	shalt  }
0x66: {  	_ =	shalt  }
0x67: {  	_ =	shalt  }
0x68: {  	_ =	shalt  }
0x69: {  	_ =	shalt  }
0x6a: {  	_ =	shalt  }
0x6b: {  	_ =	shalt  }
0x6c: {  	_ =	shalt  }
0x6d: {  	_ =	shalt  }
0x6e: {  	_ =	shalt  }
0x6f: {  	_ =	shalt  }
0x70: {  	_ =	shalt  }
0x71: {  	_ =	shalt  }
0x72: {  	_ =	shalt  }
0x73: {  	_ =	shalt  }
0x74: {  	_ =	shalt  }
0x75: {  	_ =	shalt  }
0x76: {  	_ =	shalt  }
0x77: {  	_ =	shalt  }
0x78: {  	_ =	shalt  }
0x79: {  	_ =	shalt  }
0x7a: {  	_ =	shalt  }
0x7b: {  	_ =	shalt  }
0x7c: {  	_ =	shalt  }
0x7d: {  	_ =	shalt  }
0x7e: {  	_ =	shalt  }
0x7f: {  	_ =	shalt  }
0x80: {  	_ =	shalt  }
0x81: {  	_ =	shalt  }
0x82: {  	_ =	shalt  }
0x83: {  	_ =	shalt  }
0x84: {  	_ =	shalt  }
0x85: {  	_ =	shalt  }
0x86: {  	_ =	shalt  }
0x87: {  	_ =	shalt  }
.Lfunc_end0:
.L_simem_size_0:
called_computation.3_lowered:
.L_overlay_start_0:
0x88: {  	s2 =	sld [smem:$0x3FD9]  }
0x89: {  	s3 =	sld [smem:$0x3FFE];
	_ =	sdelay $0x1  }
0x8a: {  	s1 =	srdreg.scid  }
0x8b: {  	s0 =	sand.u32 $0x1, s1  }
0x8c: {  	s17 =	sshll.u32 s0, $0xA;
	s2 =	sadd.s32 s3, s2  }
0x8d: {  	s2 =	sadd.s32 s2, s17  }
0x8e: {  	[smem:$0x3FC0] =	sst s2  }
0x8f: {  	_ = 	snop  }
0x90: {  	s2 =	sld [smem:$0x3FD0];
	(tm) =	ssettm $0x1  }
0x91: {  	s18 =	sld [smem:$0x3FFB];
	_ =	sdelay $0x3  }
0x92: {  	_ =	strace s18  }
0x93: {  	s3 =	sld [smem:$0x3FFC];
	_ =	sdelay $0x3  }
0x94: {  	_ =	strace s3  }
0x95: {  	s3 =	sld [smem:$0x3FFD];
	_ =	sdelay $0x3  }
0x96: {  	_ =	strace s3  }
0x97: {  	_ =	strace $0x8FFFFFFF  }
0x98: {  	s19 =	sld [smem:$0x3FDB];
	_ =	sdelay $0x1  }
0x99: {  	s4 =	simm.s32 $_scs_section_size  }
0x9a: {  	s5 =	simm.s32 $_size__tile_overlayer_lowered;
	s6 =	simm.s32 $_tile_overlayer_lowered  }
0x9b: {  	s22 =	simm.s32 $0x1BFF;
	s21 =	sshll.u32 s6, $0x1;
	s3 =	sadd.s32 s4, s19  }
0x9c: {  	s7 =	simm.s32 $0x0;
	s20 =	sshll.u32 s5, $0x1;
	s5 =	sadd.s32 s21, s3  }
0x9d: {  	[timem:s7], [sflag:s22] =	dma.local [hbm:s5], s20  }
0x9e: {  	_ =	swait.ge [sflag:s22], s20  }
0x9f: {  	s4 =	ssub.s32 $0x0, s20;
	[sflag:s22] =	ssyncset.done $0x0  }
0xa0: {  	[sflag:s22] =	ssyncadd.s32 s4;
	_ =	sdelay $0x1  }
0xa1: {  	s23 =	simm.s32 $0x1B8B  }
0xa2: {  	_ =	swait.ge [sflag:s23], $0x1  }
0xa3: {  	[sflag:s23] =	ssyncset.done $0x0  }
0xa4: {  	s25 =	simm.s32 $0x1B8E;
	s24 =	sld [smem:$0x3FFE];
	[sflag:s23] =	ssyncadd.s32 $0xFFFFFFFF  }
0xa5: {  	s26 =	simm.s32 $execute0_lowered;
	[smem:$0x3FD2] =	sst s25  }
0xa6: {  	s5 =	sshll.u32 s26, $0x1;
	_ =	strace $0x8000004F;
	[dreg:$0x1] =	wrdreg $0xFFFFFFFF  }
0xa7: {  	s28 =	simm.s32 $_size_execute0_lowered;
	s3 =	sadd.s32 s3, s5;
	[dreg:$0x0] =	wrdreg $0x0  }
0xa8: {  	s5 =	sshll.u32 s28, $0x1;
	[dreg:$0x2] =	wrdreg s3  }
0xa9: {  	[dreg:$0x3] =	wrdreg s5  }
0xaa: {  	[dreg:$0x4] =	wrdreg $0xC0  }
0xab: {  	_ =	task [dreg:s7], $0x5FFFF  }
0xac: {  	[dreg:$0x1] =	wrdreg $0xFFFFFFFF  }
0xad: {  	[dreg:$0x0] =	wrdreg $0x60  }
0xae: {  	[dreg:$0x2] =	wrdreg s2  }
0xaf: {  	[dreg:$0x3] =	wrdreg s24  }
0xb0: {  	[dreg:$0x4] =	wrdreg $0xC6200  }
0xb1: {  	[dreg:$0x5] =	wrdreg $0x9  }
0xb2: {  	_ =	task.clear_ibuf [dreg:s7], $0x6FFFF;
	_ =	strace $0x9000004F  }
0xb3: {  	s29 =	simm.s32 $0x9;
	_ =	strace $0x80000051  }
0xb4: {  	_ =	swait.ge [sflag:s29], $0x1  }
0xb5: {  	[sflag:s29] =	ssyncadd.s32 $0xFFFFFFFF  }
0xb6: {  	_ =	strace $0x90000051  }
0xb7: {  	_ =	sfence  }
0xb8: {  	s30 =	sld [smem:$0x0];
	_ =	sdelay $0x2  }
0xb9: {  	s31 =	sshll.u32 s1, $0xD;
	s1 =	sshrl.u32 s1, $0x2  }
0xba: {  	s3 =	sand.u32 $0x4000, s31;
	s1 =	sadd.s32 s1, s30  }
0xbb: {  	s0 =	sor.u32 s3, s0;
	s1 =	sshll.u32 s1, $0x11  }
0xbc: {  	s0 =	sor.u32 s1, s0  }
0xbd: {  	s0 =	sadd.s32 $0x8F2B, s0  }
0xbe: {  	[sflag:s0] =	ssyncadd.remote.s32 $0x1  }
0xbf: {  	_ =	sfence.sel $0xFFFF  }
0xc0: {  	[dreg:$0x0] =	wrdreg $0xFFFFFFFF;
	(pc) =	sbr.abs _section_cstart, $3  }
0xc1: {  	[dreg:$0x1] =	wrdreg $0xFFFFFFFF  }
0xc2: {  	_ =	task.clear_ibuf [dreg:s7], $0x2FFFF;
	_ =	strace $0x9FFFFFFF  }
0xc3: {  	(tm) =	ssettm $0x7FFFFFFF  }
tec
execute0_lowered:
.L_overlay_start_1:
0x0: {  	(tag) =	ssettag $0x1  }
0x1: {  	s1 =	rddreg [dreg:$0x0]  }
0x2: {  	s0 =	srdreg.scid;
	s6 =	rddreg [dreg:$0x1]  }
0x3: {  	s3 =	rddreg [dreg:$0x2];
	s5 =	sand.u32 $0x1, s0  }
0x4: {  	s0 =	stileid.u32;
	s7 =	smul.u32 $0x27100, s5  }
0x5: {  	s2 =	rddreg [dreg:$0x3];
	s8 =	smul.u32 $0x2710, s0  }
0x6: {  	s4 =	simm.s32 $0x0;
	s14 =	simm.s32 $0x28;
	s9 =	smul.u32 $0x13880, s0  }
0x7: {  	s15 =	simm.s32 $0x0;
	[smem:$0x7FF] =	sst s4;
	s10 =	smul.u32 $0x138800, s5  }
0x8: {  	_ =	strace $0x80000050;
	s31 =	ssub.s32 $0x2, s5;
	s12 =	sshll.u32 s0, $0x6  }
0x9: {  	s5 =	sadd.s32 $0x3200, s6;
	s11 =	sshrl.u32 s31, $0x1;
	s12 =	sor.u32 $0x1C02, s12  }
0xa: {  	s7 =	sadd.s32 s8, s7;
	s30 =	sadd.s32 s9, s10;
	s10 =	ssub.s32 s31, s11  }
0xb: {  	s13 =	sadd.s32 s9, s3;
	s11 =	simm.s32 $0x2710;
	s7 =	sshrl.u32 s7, $0x3  }
0xc: {  	s8 =	sshrl.u32 s30, $0x3;
	s9 =	smax.u32 s10, $0x1;
	s10 =	simm.s32 $0x2  }
0xd: {  	s13 =	sshrl.u32 s13, $0x3;
	s7 =	sadd.s32 s7, s6;
	s8 =	sadd.s32 s8, s6  }
0xe: {  	s6 =	sadd.s32 $0xD800, s7;
	s7 =	sadd.s32 $0x17440, s7;
	s8 =	sadd.s32 $0x21200, s8  }
.LBB2_1:
0xf: {  	[tilespmem:s4], [sflag:$0x2] =	stream.linear.gather [hbm4b:s6+s4], $0x2710, $0x38;
	[tilespmem:$0x1FEA0] =	vst v63  }
0x10: {  	_ =	swait.ge [sflag:s10], $0x2710  }
0x11: {  	[sflag:s10] =	ssyncset.done $0x0  }
0x12: {  	[sflag:s10] =	ssyncadd.s32 $0xFFFFD8F0  }
0x13: {  	[tilespmem:s11], [sflag:$0x2] =	stream.linear.gather [hbm4b:s7+s4], $0x2710, $0x38;
	[tilespmem:$0x1FEA0] =	vst v63  }
0x14: {  	_ =	swait.ge [sflag:s10], $0x2710  }
0x15: {  	[sflag:s10] =	ssyncset.done $0x0  }
0x16: {  	[sflag:s10] =	ssyncadd.s32 $0xFFFFD8F0  }
0x17: {  	[spmem:s13], [sflag:s12] =	dma.local [hbm:s5], $0x2710  }
0x18: {  	_ =	swait.ge [sflag:s10], $0x2710  }
0x19: {  	[sflag:s10] =	ssyncset.done $0x0  }
0x1a: {  	[sflag:s10] =	ssyncadd.s32 $0xFFFFD8F0  }
0x1b: {  	s16 =	simm.s32 $0x0;
	s17 =	simm.s32 $0x0;
	[bflag:$0x0] =	sbarrier.arrive $0xFFFF  }
.LBB2_2:
0x1c: {  	s18 =	smul.u32 $0xAB, s17;
	_ =	sdelay $0x1  }
0x1d: {  	s18 =	sshrl.u32 s18, $0xA  }
0x1e: {  	s18 =	sand.u32 $0x3F, s18  }
0x1f: {  	s18 =	smul.u32 $0x6, s18;
	_ =	sdelay $0x1  }
0x20: {  	s18 =	ssub.s32 s17, s18  }
0x21: {  	p0 =	slt.u32 s17, $0x6;
	s18 =	sand.u32 $0xFF, s18  }
0x22: {  	s19 =	simm.s32 @!p0 $0x1;
	s18 =	smul.u32 $0x5000, s18  }
0x23: {  	_ =	swait.ge @!p0 [sflag:s19], $0x1400  }
0x24: {  	s21 =	simm.s32 @!p0 $0x28;
	[sflag:s19] =	ssyncset.done @!p0 $0x0;
	s20 =	sshrl.u32 @!p0 s18, $0x2  }
0x25: {  	[sflag:s19] =	ssyncadd.s32 @!p0 $0xFFFFEC00;
	s19 =	sadd.s32 @!p0 $0x2620, s16;
	s20 =	sadd.s32 @!p0 $0x4E20, s20  }
0x26: {  	[spmem:s3] =	stream.indirect.scatter.add.f32 @!p0 [tilespmem:s20], [sflag:$0x2], $0x80, s19, s21, $0xb8;
	[tilespmem:$0x1FEA0] =	vst v63  }
0x27: {  	s19 =	simm.s32 @!p0 $0x2  }
0x28: {  	_ =	swait.ge @!p0 [sflag:s19], $0x1400  }
0x29: {  	p1 =	sgt.u32 @!p0 s17, $0xF9;
	s17 =	sadd.s32 $0x1, s17;
	[sflag:s19] =	ssyncset.done @!p0 $0x0  }
0x2a: {  	p1 =	por p0, !p1;
	[sflag:s19] =	ssyncadd.s32 @!p0 $0xFFFFEC00;
	p0 =	sne.s32 s17, $0x100  }
.Ltmp0:
0x2b: {  	_ = 	snop;
	(pc) =	sbr.rel @p0 .LBB2_2-.Ltmp0, $4  }
0x2c: {  	s18 =	sshrl.u32 @p1 s18, $0x2  }
0x2d: {  	s18 =	sadd.s32 @p1 $0x4E20, s18  }
0x2e: {  	[tilespmem:s18], [sflag:$0x1] =	stream.indirect.gather @p1 [hbm4b:s1+s14], $0x80, s16, s14, $0xb8;
	[tilespmem:$0x1FEA0] =	vst v63  }
0x2f: {  	s16 =	sadd.s32 $0x28, s16  }
0x30: {  	s15 =	sadd.s32 $0x1, s15  }
0x31: {  	p0 =	sne.s32 s15, s9  }
.Ltmp1:
0x32: {  	[bflag:$0x0] =	sbarrier.arrive $0xFFFF;
	(pc) =	sbr.rel @p0 .LBB2_1-.Ltmp1, $4  }
0x33: {  	[hbm:s8], [sflag:s12] =	dma.local [spmem:s13], $0x2710  }
0x34: {  	_ =	swait.ge [sflag:s10], $0x2710  }
0x35: {  	[sflag:s10] =	ssyncset.done $0x0  }
0x36: {  	[sflag:s10] =	ssyncadd.s32 $0xFFFFD8F0  }
0x37: {  	_ =	sfence.sel $0x180000  }
0x38: {  	[bflag:$0x0] =	sbarrier.arrive $0xFFFF  }
0x39: {  	p0 =	sne.s32 s0, $0x0;
	_ =	strace $0x90000050  }
0x3a: {  	s0 =	sadd.s32 @!p0 $0x100000, s2;
	[bflag:$0x2] =	sbarrier.arrive $0xFFFF  }
0x3b: {  	[sflag:s0] =	ssyncadd.tile.s32 @!p0 $0x1;
	_ =	shalt  }
.Lfunc_end2:
_tile_overlayer_lowered:
.L_overlay_start_2:
0x3c: {  	(tag) =	ssettag $0x2  }
0x3d: {  	s0 =	rddreg [dreg:$0x0];
	s2 =	stileid.u32  }
0x3e: {  	s1 =	rddreg [dreg:$0x1];
	p0 =	sne.s32 s2, $0x0  }
0x3f: {  	s3 =	rddreg [dreg:$0x2];
	[bflag:$0x3] =	sbarrier.arrive $0xFFFF;
	s2 =	simm.s32 @!p0 $0x1C02  }
0x40: {  	[timem:s3], [sflag:s2] =	dma.local @!p0 [hbm:s0], s1  }
0x41: {  	s0 =	simm.s32 @!p0 $0x2  }
0x42: {  	_ =	swait.ge @!p0 [sflag:s0], s1  }
0x43: {  	s1 =	ssub.s32 @!p0 $0x0, s1;
	[sflag:s0] =	ssyncset.done @!p0 $0x0  }
0x44: {  	[sflag:s0] =	ssyncadd.s32 @!p0 s1  }
0x45: {  	[bflag:$0x3] =	sbarrier.arrive $0xFFFF  }
0x46: {  	_ =	shalt  }

</sc_bundles>
